<compile_context>
chip_gen: v7x
topology: tpu7x:2x2x1
jax: 0.10.2.dev20260603
libtpu: 0.0.44.dev20260713+nightly
codegen_flags: <defaults>
</compile_context>

<pallas_src>
import functools

import jax
import jax.numpy as jnp
from jax import lax
from jax.experimental import pallas as pl
from jax.experimental.pallas import tpu as pltpu
from jax.experimental.pallas import tpu_sc as plsc


@functools.lru_cache(maxsize=None)
def _build_embed(B, V, D):
    info = plsc.get_sparse_core_info()
    NC, NS = info.num_cores, info.num_subcores
    NW = NC * NS
    assert B % NW == 0
    b_per_w = B // NW
    CHUNK = 128
    NBUF = 8
    LOOKAHEAD = 6
    assert b_per_w % (NBUF * CHUNK) == 0
    n_chunks = b_per_w // CHUNK
    n_rounds = n_chunks // NBUF

    mesh = plsc.VectorSubcoreMesh(core_axis_name="c", subcore_axis_name="s")

    @functools.partial(
        pl.kernel,
        mesh=mesh,
        out_type=jax.ShapeDtypeStruct((B, D), jnp.float32),
        scratch_types=(
            [pltpu.VMEM((b_per_w,), jnp.int32)]
            + [pltpu.VMEM((CHUNK, D), jnp.float32) for _ in range(NBUF)]
            + [pltpu.SemaphoreType.DMA for _ in range(2 * NBUF)]
        ),
        compiler_params=pltpu.CompilerParams(use_tc_tiling_on_sc=False),
    )
    def embed(idx_hbm, table_hbm, out_hbm, idx_v, *bufs_sems):
        bufs = bufs_sems[:NBUF]
        gsems = bufs_sems[NBUF:2 * NBUF]
        ssems = bufs_sems[2 * NBUF:]

        wid = lax.axis_index("s") * NC + lax.axis_index("c")
        base = wid * b_per_w
        pltpu.sync_copy(idx_hbm.at[pl.ds(base, b_per_w)], idx_v)

        def start_gather(c, b):
            off = pl.multiple_of(c * CHUNK, CHUNK)
            pltpu.async_copy(table_hbm.at[idx_v.at[pl.ds(off, CHUNK)]],
                             bufs[b], gsems[b])

        def drain_gather(b):
            pltpu.make_async_copy(table_hbm.at[pl.ds(0, CHUNK)],
                                  bufs[b], gsems[b]).wait()

        def start_store(c, b):
            off = pl.multiple_of(base + c * CHUNK, CHUNK)
            pltpu.async_copy(bufs[b], out_hbm.at[pl.ds(off, CHUNK)], ssems[b])

        def drain_store(b):
            pltpu.make_async_copy(bufs[b], out_hbm.at[pl.ds(0, CHUNK)],
                                  ssems[b]).wait()

        for c in range(LOOKAHEAD):
            start_gather(c, c % NBUF)

        def body(j, carry):
            c0 = j * NBUF
            for b in range(NBUF):
                c = c0 + b
                drain_gather(b)
                start_store(c, b)
                nc = c + LOOKAHEAD
                bn = (b + LOOKAHEAD) % NBUF

                @pl.when(nc < n_chunks)
                def _():
                    @pl.when(nc >= NBUF)
                    def _():
                        drain_store(bn)

                    start_gather(nc, bn)
            return carry

        lax.fori_loop(0, n_rounds, body, 0)

        for b in range(NBUF):
            drain_store(b)

    return embed


def kernel(x, W_E):
    S0, S1 = x.shape
    V, D = W_E.shape
    B = S0 * S1
    idx = x.reshape(B).astype(jnp.int32)
    out = _build_embed(B, V, D)(idx, W_E)
    return out.reshape(S0, S1, D)

# --- scband reference (transcript-rebuilt; emitter-appended) ---
"""Pipeline reference for scband-embed-39135742001561 (READ-ONLY COPY).

The authoritative reference and input builder live on the scoring server;
editing this copy changes nothing except your own understanding.
"""

import jax, jax.numpy as jnp
import numpy as np

N_VOCAB = 1000000
D_EMBED = 64

def setup_inputs(seed: int = 0) -> dict:
    key = jax.random.key(seed)
    k1, k2 = jax.random.split(key)
    x = jax.random.randint(k1, (16384, 50), 0, N_VOCAB, dtype=jnp.int64 if jax.config.read('jax_enable_x64') else jnp.int32)
    W_E = jax.random.normal(k2, (N_VOCAB, D_EMBED), dtype=jnp.float32) / np.sqrt(D_EMBED)
    return {"x": x, "W_E": W_E}

def reference(x, W_E):
    # Faithful translation of: return self.W_E[x, :]
    return jnp.take(W_E, x, axis=0)

if __name__ == "__main__":
    import jax
    _d = setup_inputs()
    print(jax.jit(kernel)(*tuple(_d.values())))

</pallas_src>

<mosaic_0001>
#map = affine_map<(d0, d1) -> (0)>
#map1 = affine_map<(d0, d1) -> (0, 0)>
module attributes {stable_mosaic.version = 14 : i64} {
  func.func @embed(%arg0: i32, %arg1: i32, %arg2: memref<819200xi32, #tpu.memory_space<hbm>>, %arg3: memref<1000000x64xf32, #tpu.memory_space<hbm>>, %arg4: memref<819200x64xf32, #tpu.memory_space<hbm>>, %arg5: memref<25600xi32, #tpu.memory_space<vmem>>, %arg6: memref<128x64xf32, #tpu.memory_space<vmem>>, %arg7: memref<128x64xf32, #tpu.memory_space<vmem>>, %arg8: memref<128x64xf32, #tpu.memory_space<vmem>>, %arg9: memref<128x64xf32, #tpu.memory_space<vmem>>, %arg10: memref<128x64xf32, #tpu.memory_space<vmem>>, %arg11: memref<128x64xf32, #tpu.memory_space<vmem>>, %arg12: memref<128x64xf32, #tpu.memory_space<vmem>>, %arg13: memref<128x64xf32, #tpu.memory_space<vmem>>, %arg14: memref<!tpu.dma_semaphore, #tpu.memory_space<semaphore_mem>>, %arg15: memref<!tpu.dma_semaphore, #tpu.memory_space<semaphore_mem>>, %arg16: memref<!tpu.dma_semaphore, #tpu.memory_space<semaphore_mem>>, %arg17: memref<!tpu.dma_semaphore, #tpu.memory_space<semaphore_mem>>, %arg18: memref<!tpu.dma_semaphore, #tpu.memory_space<semaphore_mem>>, %arg19: memref<!tpu.dma_semaphore, #tpu.memory_space<semaphore_mem>>, %arg20: memref<!tpu.dma_semaphore, #tpu.memory_space<semaphore_mem>>, %arg21: memref<!tpu.dma_semaphore, #tpu.memory_space<semaphore_mem>>, %arg22: memref<!tpu.dma_semaphore, #tpu.memory_space<semaphore_mem>>, %arg23: memref<!tpu.dma_semaphore, #tpu.memory_space<semaphore_mem>>, %arg24: memref<!tpu.dma_semaphore, #tpu.memory_space<semaphore_mem>>, %arg25: memref<!tpu.dma_semaphore, #tpu.memory_space<semaphore_mem>>, %arg26: memref<!tpu.dma_semaphore, #tpu.memory_space<semaphore_mem>>, %arg27: memref<!tpu.dma_semaphore, #tpu.memory_space<semaphore_mem>>, %arg28: memref<!tpu.dma_semaphore, #tpu.memory_space<semaphore_mem>>, %arg29: memref<!tpu.dma_semaphore, #tpu.memory_space<semaphore_mem>>) attributes {dimension_semantics = [#tpu.dimension_semantics<core_parallel>, #tpu.dimension_semantics<subcore_parallel>], iteration_bounds = array<i64: 2, 16>, scalar_prefetch = 0 : i64, scratch_operands = 25 : i64, tpu.core_type = #tpu.core_type<sc_vector_subcore>, window_params = [{transform_indices = #map}, {transform_indices = #map1}, {transform_indices = #map1}]} {
    %mul3A = arith.constant 2 : i32
    %mul3A_0 = arith.muli %arg1, %mul3A : i32
    %add3A = arith.addi %mul3A_0, %arg0 : i32
    %mul3A_1 = arith.constant 25600 : i32
    %mul3A_2 = arith.muli %add3A, %mul3A_1 : i32
    "tpu.region"() ({
      %run_scoped3A = tpu.sem_alloc : memref<!tpu.dma_semaphore, #tpu.memory_space<semaphore_mem>>
      %dma_start3A_89 = tpu.memref_slice %arg2[%mul3A_2] : memref<819200xi32, #tpu.memory_space<hbm>> -> memref<25600xi32, #tpu.memory_space<hbm>>
      %dma_start3A_90 = tpu.memref_slice %arg2[%mul3A_2] : memref<819200xi32, #tpu.memory_space<hbm>> -> memref<25600xi32, #tpu.memory_space<hbm>>
      tpu.enqueue_dma source(%dma_start3A_90 : memref<25600xi32, #tpu.memory_space<hbm>>) target(%arg5 : memref<25600xi32, #tpu.memory_space<vmem>>) target_semaphore(%run_scoped3A : memref<!tpu.dma_semaphore, #tpu.memory_space<semaphore_mem>>)
      %dma_wait3A_91 = tpu.memref_slice %arg2[%mul3A_2] : memref<819200xi32, #tpu.memory_space<hbm>> -> memref<25600xi32, #tpu.memory_space<hbm>>
      %dma_wait3A_92 = tpu.memref_slice %arg2[%mul3A_2] : memref<819200xi32, #tpu.memory_space<hbm>> -> memref<25600xi32, #tpu.memory_space<hbm>>
      tpu.wait_dma2 semaphore(%run_scoped3A : memref<!tpu.dma_semaphore, #tpu.memory_space<semaphore_mem>>) src(%dma_wait3A_92 : memref<25600xi32, #tpu.memory_space<hbm>>) dst(%arg5 : memref<25600xi32, #tpu.memory_space<vmem>>)
      tpu.yield
    }) : () -> ()
    %multiple_of3A = arith.constant 0 : i32
    %multiple_of3A_3 = tpu.assume_multiple %multiple_of3A, 128 : i32
    %dma_start3A = tpu.memref_slice %arg5[%multiple_of3A_3] : memref<25600xi32, #tpu.memory_space<vmem>> -> memref<128xi32, #tpu.memory_space<vmem>>
    %dma_start3A_4 = arith.constant 0 : i32
    %dma_start3A_5 = arith.constant 0 : i32
    %dma_start3A_6 = tpu.memref_slice %arg3[%dma_start3A_4, %dma_start3A_5] : memref<1000000x64xf32, #tpu.memory_space<hbm>> -> memref<1000000x64xf32, #tpu.memory_space<hbm>>
    tpu.enqueue_indirect_dma source(%dma_start3A_6 : memref<1000000x64xf32, #tpu.memory_space<hbm>>) target(%arg6 : memref<128x64xf32, #tpu.memory_space<vmem>>) offsets(%dma_start3A : memref<128xi32, #tpu.memory_space<vmem>>) semaphore(%arg14 : memref<!tpu.dma_semaphore, #tpu.memory_space<semaphore_mem>>)
    %multiple_of3A_7 = arith.constant 128 : i32
    %multiple_of3A_8 = tpu.assume_multiple %multiple_of3A_7, 128 : i32
    %dma_start3A_9 = tpu.memref_slice %arg5[%multiple_of3A_8] : memref<25600xi32, #tpu.memory_space<vmem>> -> memref<128xi32, #tpu.memory_space<vmem>>
    %dma_start3A_10 = arith.constant 0 : i32
    %dma_start3A_11 = arith.constant 0 : i32
    %dma_start3A_12 = tpu.memref_slice %arg3[%dma_start3A_10, %dma_start3A_11] : memref<1000000x64xf32, #tpu.memory_space<hbm>> -> memref<1000000x64xf32, #tpu.memory_space<hbm>>
    tpu.enqueue_indirect_dma source(%dma_start3A_12 : memref<1000000x64xf32, #tpu.memory_space<hbm>>) target(%arg7 : memref<128x64xf32, #tpu.memory_space<vmem>>) offsets(%dma_start3A_9 : memref<128xi32, #tpu.memory_space<vmem>>) semaphore(%arg15 : memref<!tpu.dma_semaphore, #tpu.memory_space<semaphore_mem>>)
    %multiple_of3A_13 = arith.constant 256 : i32
    %multiple_of3A_14 = tpu.assume_multiple %multiple_of3A_13, 128 : i32
    %dma_start3A_15 = tpu.memref_slice %arg5[%multiple_of3A_14] : memref<25600xi32, #tpu.memory_space<vmem>> -> memref<128xi32, #tpu.memory_space<vmem>>
    %dma_start3A_16 = arith.constant 0 : i32
    %dma_start3A_17 = arith.constant 0 : i32
    %dma_start3A_18 = tpu.memref_slice %arg3[%dma_start3A_16, %dma_start3A_17] : memref<1000000x64xf32, #tpu.memory_space<hbm>> -> memref<1000000x64xf32, #tpu.memory_space<hbm>>
    tpu.enqueue_indirect_dma source(%dma_start3A_18 : memref<1000000x64xf32, #tpu.memory_space<hbm>>) target(%arg8 : memref<128x64xf32, #tpu.memory_space<vmem>>) offsets(%dma_start3A_15 : memref<128xi32, #tpu.memory_space<vmem>>) semaphore(%arg16 : memref<!tpu.dma_semaphore, #tpu.memory_space<semaphore_mem>>)
    %multiple_of3A_19 = arith.constant 384 : i32
    %multiple_of3A_20 = tpu.assume_multiple %multiple_of3A_19, 128 : i32
    %dma_start3A_21 = tpu.memref_slice %arg5[%multiple_of3A_20] : memref<25600xi32, #tpu.memory_space<vmem>> -> memref<128xi32, #tpu.memory_space<vmem>>
    %dma_start3A_22 = arith.constant 0 : i32
    %dma_start3A_23 = arith.constant 0 : i32
    %dma_start3A_24 = tpu.memref_slice %arg3[%dma_start3A_22, %dma_start3A_23] : memref<1000000x64xf32, #tpu.memory_space<hbm>> -> memref<1000000x64xf32, #tpu.memory_space<hbm>>
    tpu.enqueue_indirect_dma source(%dma_start3A_24 : memref<1000000x64xf32, #tpu.memory_space<hbm>>) target(%arg9 : memref<128x64xf32, #tpu.memory_space<vmem>>) offsets(%dma_start3A_21 : memref<128xi32, #tpu.memory_space<vmem>>) semaphore(%arg17 : memref<!tpu.dma_semaphore, #tpu.memory_space<semaphore_mem>>)
    %multiple_of3A_25 = arith.constant 512 : i32
    %multiple_of3A_26 = tpu.assume_multiple %multiple_of3A_25, 128 : i32
    %dma_start3A_27 = tpu.memref_slice %arg5[%multiple_of3A_26] : memref<25600xi32, #tpu.memory_space<vmem>> -> memref<128xi32, #tpu.memory_space<vmem>>
    %dma_start3A_28 = arith.constant 0 : i32
    %dma_start3A_29 = arith.constant 0 : i32
    %dma_start3A_30 = tpu.memref_slice %arg3[%dma_start3A_28, %dma_start3A_29] : memref<1000000x64xf32, #tpu.memory_space<hbm>> -> memref<1000000x64xf32, #tpu.memory_space<hbm>>
    tpu.enqueue_indirect_dma source(%dma_start3A_30 : memref<1000000x64xf32, #tpu.memory_space<hbm>>) target(%arg10 : memref<128x64xf32, #tpu.memory_space<vmem>>) offsets(%dma_start3A_27 : memref<128xi32, #tpu.memory_space<vmem>>) semaphore(%arg18 : memref<!tpu.dma_semaphore, #tpu.memory_space<semaphore_mem>>)
    %multiple_of3A_31 = arith.constant 640 : i32
    %multiple_of3A_32 = tpu.assume_multiple %multiple_of3A_31, 128 : i32
    %dma_start3A_33 = tpu.memref_slice %arg5[%multiple_of3A_32] : memref<25600xi32, #tpu.memory_space<vmem>> -> memref<128xi32, #tpu.memory_space<vmem>>
    %dma_start3A_34 = arith.constant 0 : i32
    %dma_start3A_35 = arith.constant 0 : i32
    %dma_start3A_36 = tpu.memref_slice %arg3[%dma_start3A_34, %dma_start3A_35] : memref<1000000x64xf32, #tpu.memory_space<hbm>> -> memref<1000000x64xf32, #tpu.memory_space<hbm>>
    tpu.enqueue_indirect_dma source(%dma_start3A_36 : memref<1000000x64xf32, #tpu.memory_space<hbm>>) target(%arg11 : memref<128x64xf32, #tpu.memory_space<vmem>>) offsets(%dma_start3A_33 : memref<128xi32, #tpu.memory_space<vmem>>) semaphore(%arg19 : memref<!tpu.dma_semaphore, #tpu.memory_space<semaphore_mem>>)
    %scan3A = arith.constant 0 : i32
    %scan3A_37 = arith.constant 0 : i32
    %scan3A_38 = arith.constant 25 : i32
    %scan3A_39 = arith.addi %scan3A_37, %scan3A_38 : i32
    %scan3A_40 = arith.constant 1 : i32
    scf.for %scan3A_89 = %scan3A_37 to %scan3A_39 step %scan3A_40  : i32 {
      %mul3A_90 = arith.constant 8 : i32
      %mul3A_91 = arith.muli %scan3A_89, %mul3A_90 : i32
      %add3A_92 = arith.constant 0 : i32
      %add3A_93 = arith.addi %mul3A_91, %add3A_92 : i32
      %dma_wait3A_94 = arith.constant 0 : i32
      %dma_wait3A_95 = arith.constant 0 : i32
      %dma_wait3A_96 = tpu.memref_slice %arg3[%dma_wait3A_94, %dma_wait3A_95] : memref<1000000x64xf32, #tpu.memory_space<hbm>> -> memref<128x64xf32, #tpu.memory_space<hbm>>
      %dma_wait3A_97 = arith.constant 0 : i32
      %dma_wait3A_98 = arith.constant 0 : i32
      %dma_wait3A_99 = tpu.memref_slice %arg3[%dma_wait3A_97, %dma_wait3A_98] : memref<1000000x64xf32, #tpu.memory_space<hbm>> -> memref<128x64xf32, #tpu.memory_space<hbm>>
      tpu.wait_dma2 semaphore(%arg14 : memref<!tpu.dma_semaphore, #tpu.memory_space<semaphore_mem>>) src(%dma_wait3A_99 : memref<128x64xf32, #tpu.memory_space<hbm>>) dst(%arg6 : memref<128x64xf32, #tpu.memory_space<vmem>>)
      %mul3A_100 = arith.constant 128 : i32
      %mul3A_101 = arith.muli %add3A_93, %mul3A_100 : i32
      %add3A_102 = arith.addi %mul3A_2, %mul3A_101 : i32
      %multiple_of3A_103 = tpu.assume_multiple %add3A_102, 128 : i32
      %dma_start3A_104 = arith.constant 0 : i32
      %dma_start3A_105 = tpu.memref_slice %arg4[%multiple_of3A_103, %dma_start3A_104] : memref<819200x64xf32, #tpu.memory_space<hbm>> -> memref<128x64xf32, #tpu.memory_space<hbm>>
      %dma_start3A_106 = arith.constant 0 : i32
      %dma_start3A_107 = tpu.memref_slice %arg4[%multiple_of3A_103, %dma_start3A_106] : memref<819200x64xf32, #tpu.memory_space<hbm>> -> memref<128x64xf32, #tpu.memory_space<hbm>>
      tpu.enqueue_dma source(%arg6 : memref<128x64xf32, #tpu.memory_space<vmem>>) target(%dma_start3A_107 : memref<128x64xf32, #tpu.memory_space<hbm>>) target_semaphore(%arg22 : memref<!tpu.dma_semaphore, #tpu.memory_space<semaphore_mem>>)
      %add3A_108 = arith.constant 6 : i32
      %add3A_109 = arith.addi %add3A_93, %add3A_108 : i32
      %lt3A = arith.constant 200 : i32
      %lt3A_110 = arith.cmpi slt, %add3A_109, %lt3A : i32
      %convert_element_type3A = arith.extui %lt3A_110 : i1 to i32
      %cond3A = arith.constant 0 : i32
      %cond3A_111 = arith.cmpi ne, %convert_element_type3A, %cond3A : i32
      scf.if %cond3A_111 {
        %ge3A = arith.constant 8 : i32
        %ge3A_273 = arith.cmpi sge, %add3A_109, %ge3A : i32
        %convert_element_type3A_274 = arith.extui %ge3A_273 : i1 to i32
        %cond3A_275 = arith.constant 0 : i32
        %cond3A_276 = arith.cmpi ne, %convert_element_type3A_274, %cond3A_275 : i32
        scf.if %cond3A_276 {
          %dma_wait3A_284 = arith.constant 0 : i32
          %dma_wait3A_285 = arith.constant 0 : i32
          %dma_wait3A_286 = tpu.memref_slice %arg4[%dma_wait3A_284, %dma_wait3A_285] : memref<819200x64xf32, #tpu.memory_space<hbm>> -> memref<128x64xf32, #tpu.memory_space<hbm>>
          %dma_wait3A_287 = arith.constant 0 : i32
          %dma_wait3A_288 = arith.constant 0 : i32
          %dma_wait3A_289 = tpu.memref_slice %arg4[%dma_wait3A_287, %dma_wait3A_288] : memref<819200x64xf32, #tpu.memory_space<hbm>> -> memref<128x64xf32, #tpu.memory_space<hbm>>
          tpu.wait_dma2 semaphore(%arg28 : memref<!tpu.dma_semaphore, #tpu.memory_space<semaphore_mem>>) src(%arg12 : memref<128x64xf32, #tpu.memory_space<vmem>>) dst(%dma_wait3A_289 : memref<128x64xf32, #tpu.memory_space<hbm>>)
        } else {
        }
        %mul3A_277 = arith.constant 128 : i32
        %mul3A_278 = arith.muli %add3A_109, %mul3A_277 : i32
        %multiple_of3A_279 = tpu.assume_multiple %mul3A_278, 128 : i32
        %dma_start3A_280 = tpu.memref_slice %arg5[%multiple_of3A_279] : memref<25600xi32, #tpu.memory_space<vmem>> -> memref<128xi32, #tpu.memory_space<vmem>>
        %dma_start3A_281 = arith.constant 0 : i32
        %dma_start3A_282 = arith.constant 0 : i32
        %dma_start3A_283 = tpu.memref_slice %arg3[%dma_start3A_281, %dma_start3A_282] : memref<1000000x64xf32, #tpu.memory_space<hbm>> -> memref<1000000x64xf32, #tpu.memory_space<hbm>>
        tpu.enqueue_indirect_dma source(%dma_start3A_283 : memref<1000000x64xf32, #tpu.memory_space<hbm>>) target(%arg12 : memref<128x64xf32, #tpu.memory_space<vmem>>) offsets(%dma_start3A_280 : memref<128xi32, #tpu.memory_space<vmem>>) semaphore(%arg20 : memref<!tpu.dma_semaphore, #tpu.memory_space<semaphore_mem>>)
      } else {
      }
      %add3A_112 = arith.constant 1 : i32
      %add3A_113 = arith.addi %mul3A_91, %add3A_112 : i32
      %dma_wait3A_114 = arith.constant 0 : i32
      %dma_wait3A_115 = arith.constant 0 : i32
      %dma_wait3A_116 = tpu.memref_slice %arg3[%dma_wait3A_114, %dma_wait3A_115] : memref<1000000x64xf32, #tpu.memory_space<hbm>> -> memref<128x64xf32, #tpu.memory_space<hbm>>
      %dma_wait3A_117 = arith.constant 0 : i32
      %dma_wait3A_118 = arith.constant 0 : i32
      %dma_wait3A_119 = tpu.memref_slice %arg3[%dma_wait3A_117, %dma_wait3A_118] : memref<1000000x64xf32, #tpu.memory_space<hbm>> -> memref<128x64xf32, #tpu.memory_space<hbm>>
      tpu.wait_dma2 semaphore(%arg15 : memref<!tpu.dma_semaphore, #tpu.memory_space<semaphore_mem>>) src(%dma_wait3A_119 : memref<128x64xf32, #tpu.memory_space<hbm>>) dst(%arg7 : memref<128x64xf32, #tpu.memory_space<vmem>>)
      %mul3A_120 = arith.constant 128 : i32
      %mul3A_121 = arith.muli %add3A_113, %mul3A_120 : i32
      %add3A_122 = arith.addi %mul3A_2, %mul3A_121 : i32
      %multiple_of3A_123 = tpu.assume_multiple %add3A_122, 128 : i32
      %dma_start3A_124 = arith.constant 0 : i32
      %dma_start3A_125 = tpu.memref_slice %arg4[%multiple_of3A_123, %dma_start3A_124] : memref<819200x64xf32, #tpu.memory_space<hbm>> -> memref<128x64xf32, #tpu.memory_space<hbm>>
      %dma_start3A_126 = arith.constant 0 : i32
      %dma_start3A_127 = tpu.memref_slice %arg4[%multiple_of3A_123, %dma_start3A_126] : memref<819200x64xf32, #tpu.memory_space<hbm>> -> memref<128x64xf32, #tpu.memory_space<hbm>>
      tpu.enqueue_dma source(%arg7 : memref<128x64xf32, #tpu.memory_space<vmem>>) target(%dma_start3A_127 : memref<128x64xf32, #tpu.memory_space<hbm>>) target_semaphore(%arg23 : memref<!tpu.dma_semaphore, #tpu.memory_space<semaphore_mem>>)
      %add3A_128 = arith.constant 6 : i32
      %add3A_129 = arith.addi %add3A_113, %add3A_128 : i32
      %lt3A_130 = arith.constant 200 : i32
      %lt3A_131 = arith.cmpi slt, %add3A_129, %lt3A_130 : i32
      %convert_element_type3A_132 = arith.extui %lt3A_131 : i1 to i32
      %cond3A_133 = arith.constant 0 : i32
      %cond3A_134 = arith.cmpi ne, %convert_element_type3A_132, %cond3A_133 : i32
      scf.if %cond3A_134 {
        %ge3A = arith.constant 8 : i32
        %ge3A_273 = arith.cmpi sge, %add3A_129, %ge3A : i32
        %convert_element_type3A_274 = arith.extui %ge3A_273 : i1 to i32
        %cond3A_275 = arith.constant 0 : i32
        %cond3A_276 = arith.cmpi ne, %convert_element_type3A_274, %cond3A_275 : i32
        scf.if %cond3A_276 {
          %dma_wait3A_284 = arith.constant 0 : i32
          %dma_wait3A_285 = arith.constant 0 : i32
          %dma_wait3A_286 = tpu.memref_slice %arg4[%dma_wait3A_284, %dma_wait3A_285] : memref<819200x64xf32, #tpu.memory_space<hbm>> -> memref<128x64xf32, #tpu.memory_space<hbm>>
          %dma_wait3A_287 = arith.constant 0 : i32
          %dma_wait3A_288 = arith.constant 0 : i32
          %dma_wait3A_289 = tpu.memref_slice %arg4[%dma_wait3A_287, %dma_wait3A_288] : memref<819200x64xf32, #tpu.memory_space<hbm>> -> memref<128x64xf32, #tpu.memory_space<hbm>>
          tpu.wait_dma2 semaphore(%arg29 : memref<!tpu.dma_semaphore, #tpu.memory_space<semaphore_mem>>) src(%arg13 : memref<128x64xf32, #tpu.memory_space<vmem>>) dst(%dma_wait3A_289 : memref<128x64xf32, #tpu.memory_space<hbm>>)
        } else {
        }
        %mul3A_277 = arith.constant 128 : i32
        %mul3A_278 = arith.muli %add3A_129, %mul3A_277 : i32
        %multiple_of3A_279 = tpu.assume_multiple %mul3A_278, 128 : i32
        %dma_start3A_280 = tpu.memref_slice %arg5[%multiple_of3A_279] : memref<25600xi32, #tpu.memory_space<vmem>> -> memref<128xi32, #tpu.memory_space<vmem>>
        %dma_start3A_281 = arith.constant 0 : i32
        %dma_start3A_282 = arith.constant 0 : i32
        %dma_start3A_283 = tpu.memref_slice %arg3[%dma_start3A_281, %dma_start3A_282] : memref<1000000x64xf32, #tpu.memory_space<hbm>> -> memref<1000000x64xf32, #tpu.memory_space<hbm>>
        tpu.enqueue_indirect_dma source(%dma_start3A_283 : memref<1000000x64xf32, #tpu.memory_space<hbm>>) target(%arg13 : memref<128x64xf32, #tpu.memory_space<vmem>>) offsets(%dma_start3A_280 : memref<128xi32, #tpu.memory_space<vmem>>) semaphore(%arg21 : memref<!tpu.dma_semaphore, #tpu.memory_space<semaphore_mem>>)
      } else {
      }
      %add3A_135 = arith.constant 2 : i32
      %add3A_136 = arith.addi %mul3A_91, %add3A_135 : i32
      %dma_wait3A_137 = arith.constant 0 : i32
      %dma_wait3A_138 = arith.constant 0 : i32
      %dma_wait3A_139 = tpu.memref_slice %arg3[%dma_wait3A_137, %dma_wait3A_138] : memref<1000000x64xf32, #tpu.memory_space<hbm>> -> memref<128x64xf32, #tpu.memory_space<hbm>>
      %dma_wait3A_140 = arith.constant 0 : i32
      %dma_wait3A_141 = arith.constant 0 : i32
      %dma_wait3A_142 = tpu.memref_slice %arg3[%dma_wait3A_140, %dma_wait3A_141] : memref<1000000x64xf32, #tpu.memory_space<hbm>> -> memref<128x64xf32, #tpu.memory_space<hbm>>
      tpu.wait_dma2 semaphore(%arg16 : memref<!tpu.dma_semaphore, #tpu.memory_space<semaphore_mem>>) src(%dma_wait3A_142 : memref<128x64xf32, #tpu.memory_space<hbm>>) dst(%arg8 : memref<128x64xf32, #tpu.memory_space<vmem>>)
      %mul3A_143 = arith.constant 128 : i32
      %mul3A_144 = arith.muli %add3A_136, %mul3A_143 : i32
      %add3A_145 = arith.addi %mul3A_2, %mul3A_144 : i32
      %multiple_of3A_146 = tpu.assume_multiple %add3A_145, 128 : i32
      %dma_start3A_147 = arith.constant 0 : i32
      %dma_start3A_148 = tpu.memref_slice %arg4[%multiple_of3A_146, %dma_start3A_147] : memref<819200x64xf32, #tpu.memory_space<hbm>> -> memref<128x64xf32, #tpu.memory_space<hbm>>
      %dma_start3A_149 = arith.constant 0 : i32
      %dma_start3A_150 = tpu.memref_slice %arg4[%multiple_of3A_146, %dma_start3A_149] : memref<819200x64xf32, #tpu.memory_space<hbm>> -> memref<128x64xf32, #tpu.memory_space<hbm>>
      tpu.enqueue_dma source(%arg8 : memref<128x64xf32, #tpu.memory_space<vmem>>) target(%dma_start3A_150 : memref<128x64xf32, #tpu.memory_space<hbm>>) target_semaphore(%arg24 : memref<!tpu.dma_semaphore, #tpu.memory_space<semaphore_mem>>)
      %add3A_151 = arith.constant 6 : i32
      %add3A_152 = arith.addi %add3A_136, %add3A_151 : i32
      %lt3A_153 = arith.constant 200 : i32
      %lt3A_154 = arith.cmpi slt, %add3A_152, %lt3A_153 : i32
      %convert_element_type3A_155 = arith.extui %lt3A_154 : i1 to i32
      %cond3A_156 = arith.constant 0 : i32
      %cond3A_157 = arith.cmpi ne, %convert_element_type3A_155, %cond3A_156 : i32
      scf.if %cond3A_157 {
        %ge3A = arith.constant 8 : i32
        %ge3A_273 = arith.cmpi sge, %add3A_152, %ge3A : i32
        %convert_element_type3A_274 = arith.extui %ge3A_273 : i1 to i32
        %cond3A_275 = arith.constant 0 : i32
        %cond3A_276 = arith.cmpi ne, %convert_element_type3A_274, %cond3A_275 : i32
        scf.if %cond3A_276 {
          %dma_wait3A_284 = arith.constant 0 : i32
          %dma_wait3A_285 = arith.constant 0 : i32
          %dma_wait3A_286 = tpu.memref_slice %arg4[%dma_wait3A_284, %dma_wait3A_285] : memref<819200x64xf32, #tpu.memory_space<hbm>> -> memref<128x64xf32, #tpu.memory_space<hbm>>
          %dma_wait3A_287 = arith.constant 0 : i32
          %dma_wait3A_288 = arith.constant 0 : i32
          %dma_wait3A_289 = tpu.memref_slice %arg4[%dma_wait3A_287, %dma_wait3A_288] : memref<819200x64xf32, #tpu.memory_space<hbm>> -> memref<128x64xf32, #tpu.memory_space<hbm>>
          tpu.wait_dma2 semaphore(%arg22 : memref<!tpu.dma_semaphore, #tpu.memory_space<semaphore_mem>>) src(%arg6 : memref<128x64xf32, #tpu.memory_space<vmem>>) dst(%dma_wait3A_289 : memref<128x64xf32, #tpu.memory_space<hbm>>)
        } else {
        }
        %mul3A_277 = arith.constant 128 : i32
        %mul3A_278 = arith.muli %add3A_152, %mul3A_277 : i32
        %multiple_of3A_279 = tpu.assume_multiple %mul3A_278, 128 : i32
        %dma_start3A_280 = tpu.memref_slice %arg5[%multiple_of3A_279] : memref<25600xi32, #tpu.memory_space<vmem>> -> memref<128xi32, #tpu.memory_space<vmem>>
        %dma_start3A_281 = arith.constant 0 : i32
        %dma_start3A_282 = arith.constant 0 : i32
        %dma_start3A_283 = tpu.memref_slice %arg3[%dma_start3A_281, %dma_start3A_282] : memref<1000000x64xf32, #tpu.memory_space<hbm>> -> memref<1000000x64xf32, #tpu.memory_space<hbm>>
        tpu.enqueue_indirect_dma source(%dma_start3A_283 : memref<1000000x64xf32, #tpu.memory_space<hbm>>) target(%arg6 : memref<128x64xf32, #tpu.memory_space<vmem>>) offsets(%dma_start3A_280 : memref<128xi32, #tpu.memory_space<vmem>>) semaphore(%arg14 : memref<!tpu.dma_semaphore, #tpu.memory_space<semaphore_mem>>)
      } else {
      }
      %add3A_158 = arith.constant 3 : i32
      %add3A_159 = arith.addi %mul3A_91, %add3A_158 : i32
      %dma_wait3A_160 = arith.constant 0 : i32
      %dma_wait3A_161 = arith.constant 0 : i32
      %dma_wait3A_162 = tpu.memref_slice %arg3[%dma_wait3A_160, %dma_wait3A_161] : memref<1000000x64xf32, #tpu.memory_space<hbm>> -> memref<128x64xf32, #tpu.memory_space<hbm>>
      %dma_wait3A_163 = arith.constant 0 : i32
      %dma_wait3A_164 = arith.constant 0 : i32
      %dma_wait3A_165 = tpu.memref_slice %arg3[%dma_wait3A_163, %dma_wait3A_164] : memref<1000000x64xf32, #tpu.memory_space<hbm>> -> memref<128x64xf32, #tpu.memory_space<hbm>>
      tpu.wait_dma2 semaphore(%arg17 : memref<!tpu.dma_semaphore, #tpu.memory_space<semaphore_mem>>) src(%dma_wait3A_165 : memref<128x64xf32, #tpu.memory_space<hbm>>) dst(%arg9 : memref<128x64xf32, #tpu.memory_space<vmem>>)
      %mul3A_166 = arith.constant 128 : i32
      %mul3A_167 = arith.muli %add3A_159, %mul3A_166 : i32
      %add3A_168 = arith.addi %mul3A_2, %mul3A_167 : i32
      %multiple_of3A_169 = tpu.assume_multiple %add3A_168, 128 : i32
      %dma_start3A_170 = arith.constant 0 : i32
      %dma_start3A_171 = tpu.memref_slice %arg4[%multiple_of3A_169, %dma_start3A_170] : memref<819200x64xf32, #tpu.memory_space<hbm>> -> memref<128x64xf32, #tpu.memory_space<hbm>>
      %dma_start3A_172 = arith.constant 0 : i32
      %dma_start3A_173 = tpu.memref_slice %arg4[%multiple_of3A_169, %dma_start3A_172] : memref<819200x64xf32, #tpu.memory_space<hbm>> -> memref<128x64xf32, #tpu.memory_space<hbm>>
      tpu.enqueue_dma source(%arg9 : memref<128x64xf32, #tpu.memory_space<vmem>>) target(%dma_start3A_173 : memref<128x64xf32, #tpu.memory_space<hbm>>) target_semaphore(%arg25 : memref<!tpu.dma_semaphore, #tpu.memory_space<semaphore_mem>>)
      %add3A_174 = arith.constant 6 : i32
      %add3A_175 = arith.addi %add3A_159, %add3A_174 : i32
      %lt3A_176 = arith.constant 200 : i32
      %lt3A_177 = arith.cmpi slt, %add3A_175, %lt3A_176 : i32
      %convert_element_type3A_178 = arith.extui %lt3A_177 : i1 to i32
      %cond3A_179 = arith.constant 0 : i32
      %cond3A_180 = arith.cmpi ne, %convert_element_type3A_178, %cond3A_179 : i32
      scf.if %cond3A_180 {
        %ge3A = arith.constant 8 : i32
        %ge3A_273 = arith.cmpi sge, %add3A_175, %ge3A : i32
        %convert_element_type3A_274 = arith.extui %ge3A_273 : i1 to i32
        %cond3A_275 = arith.constant 0 : i32
        %cond3A_276 = arith.cmpi ne, %convert_element_type3A_274, %cond3A_275 : i32
        scf.if %cond3A_276 {
          %dma_wait3A_284 = arith.constant 0 : i32
          %dma_wait3A_285 = arith.constant 0 : i32
          %dma_wait3A_286 = tpu.memref_slice %arg4[%dma_wait3A_284, %dma_wait3A_285] : memref<819200x64xf32, #tpu.memory_space<hbm>> -> memref<128x64xf32, #tpu.memory_space<hbm>>
          %dma_wait3A_287 = arith.constant 0 : i32
          %dma_wait3A_288 = arith.constant 0 : i32
          %dma_wait3A_289 = tpu.memref_slice %arg4[%dma_wait3A_287, %dma_wait3A_288] : memref<819200x64xf32, #tpu.memory_space<hbm>> -> memref<128x64xf32, #tpu.memory_space<hbm>>
          tpu.wait_dma2 semaphore(%arg23 : memref<!tpu.dma_semaphore, #tpu.memory_space<semaphore_mem>>) src(%arg7 : memref<128x64xf32, #tpu.memory_space<vmem>>) dst(%dma_wait3A_289 : memref<128x64xf32, #tpu.memory_space<hbm>>)
        } else {
        }
        %mul3A_277 = arith.constant 128 : i32
        %mul3A_278 = arith.muli %add3A_175, %mul3A_277 : i32
        %multiple_of3A_279 = tpu.assume_multiple %mul3A_278, 128 : i32
        %dma_start3A_280 = tpu.memref_slice %arg5[%multiple_of3A_279] : memref<25600xi32, #tpu.memory_space<vmem>> -> memref<128xi32, #tpu.memory_space<vmem>>
        %dma_start3A_281 = arith.constant 0 : i32
        %dma_start3A_282 = arith.constant 0 : i32
        %dma_start3A_283 = tpu.memref_slice %arg3[%dma_start3A_281, %dma_start3A_282] : memref<1000000x64xf32, #tpu.memory_space<hbm>> -> memref<1000000x64xf32, #tpu.memory_space<hbm>>
        tpu.enqueue_indirect_dma source(%dma_start3A_283 : memref<1000000x64xf32, #tpu.memory_space<hbm>>) target(%arg7 : memref<128x64xf32, #tpu.memory_space<vmem>>) offsets(%dma_start3A_280 : memref<128xi32, #tpu.memory_space<vmem>>) semaphore(%arg15 : memref<!tpu.dma_semaphore, #tpu.memory_space<semaphore_mem>>)
      } else {
      }
      %add3A_181 = arith.constant 4 : i32
      %add3A_182 = arith.addi %mul3A_91, %add3A_181 : i32
      %dma_wait3A_183 = arith.constant 0 : i32
      %dma_wait3A_184 = arith.constant 0 : i32
      %dma_wait3A_185 = tpu.memref_slice %arg3[%dma_wait3A_183, %dma_wait3A_184] : memref<1000000x64xf32, #tpu.memory_space<hbm>> -> memref<128x64xf32, #tpu.memory_space<hbm>>
      %dma_wait3A_186 = arith.constant 0 : i32
      %dma_wait3A_187 = arith.constant 0 : i32
      %dma_wait3A_188 = tpu.memref_slice %arg3[%dma_wait3A_186, %dma_wait3A_187] : memref<1000000x64xf32, #tpu.memory_space<hbm>> -> memref<128x64xf32, #tpu.memory_space<hbm>>
      tpu.wait_dma2 semaphore(%arg18 : memref<!tpu.dma_semaphore, #tpu.memory_space<semaphore_mem>>) src(%dma_wait3A_188 : memref<128x64xf32, #tpu.memory_space<hbm>>) dst(%arg10 : memref<128x64xf32, #tpu.memory_space<vmem>>)
      %mul3A_189 = arith.constant 128 : i32
      %mul3A_190 = arith.muli %add3A_182, %mul3A_189 : i32
      %add3A_191 = arith.addi %mul3A_2, %mul3A_190 : i32
      %multiple_of3A_192 = tpu.assume_multiple %add3A_191, 128 : i32
      %dma_start3A_193 = arith.constant 0 : i32
      %dma_start3A_194 = tpu.memref_slice %arg4[%multiple_of3A_192, %dma_start3A_193] : memref<819200x64xf32, #tpu.memory_space<hbm>> -> memref<128x64xf32, #tpu.memory_space<hbm>>
      %dma_start3A_195 = arith.constant 0 : i32
      %dma_start3A_196 = tpu.memref_slice %arg4[%multiple_of3A_192, %dma_start3A_195] : memref<819200x64xf32, #tpu.memory_space<hbm>> -> memref<128x64xf32, #tpu.memory_space<hbm>>
      tpu.enqueue_dma source(%arg10 : memref<128x64xf32, #tpu.memory_space<vmem>>) target(%dma_start3A_196 : memref<128x64xf32, #tpu.memory_space<hbm>>) target_semaphore(%arg26 : memref<!tpu.dma_semaphore, #tpu.memory_space<semaphore_mem>>)
      %add3A_197 = arith.constant 6 : i32
      %add3A_198 = arith.addi %add3A_182, %add3A_197 : i32
      %lt3A_199 = arith.constant 200 : i32
      %lt3A_200 = arith.cmpi slt, %add3A_198, %lt3A_199 : i32
      %convert_element_type3A_201 = arith.extui %lt3A_200 : i1 to i32
      %cond3A_202 = arith.constant 0 : i32
      %cond3A_203 = arith.cmpi ne, %convert_element_type3A_201, %cond3A_202 : i32
      scf.if %cond3A_203 {
        %ge3A = arith.constant 8 : i32
        %ge3A_273 = arith.cmpi sge, %add3A_198, %ge3A : i32
        %convert_element_type3A_274 = arith.extui %ge3A_273 : i1 to i32
        %cond3A_275 = arith.constant 0 : i32
        %cond3A_276 = arith.cmpi ne, %convert_element_type3A_274, %cond3A_275 : i32
        scf.if %cond3A_276 {
          %dma_wait3A_284 = arith.constant 0 : i32
          %dma_wait3A_285 = arith.constant 0 : i32
          %dma_wait3A_286 = tpu.memref_slice %arg4[%dma_wait3A_284, %dma_wait3A_285] : memref<819200x64xf32, #tpu.memory_space<hbm>> -> memref<128x64xf32, #tpu.memory_space<hbm>>
          %dma_wait3A_287 = arith.constant 0 : i32
          %dma_wait3A_288 = arith.constant 0 : i32
          %dma_wait3A_289 = tpu.memref_slice %arg4[%dma_wait3A_287, %dma_wait3A_288] : memref<819200x64xf32, #tpu.memory_space<hbm>> -> memref<128x64xf32, #tpu.memory_space<hbm>>
          tpu.wait_dma2 semaphore(%arg24 : memref<!tpu.dma_semaphore, #tpu.memory_space<semaphore_mem>>) src(%arg8 : memref<128x64xf32, #tpu.memory_space<vmem>>) dst(%dma_wait3A_289 : memref<128x64xf32, #tpu.memory_space<hbm>>)
        } else {
        }
        %mul3A_277 = arith.constant 128 : i32
        %mul3A_278 = arith.muli %add3A_198, %mul3A_277 : i32
        %multiple_of3A_279 = tpu.assume_multiple %mul3A_278, 128 : i32
        %dma_start3A_280 = tpu.memref_slice %arg5[%multiple_of3A_279] : memref<25600xi32, #tpu.memory_space<vmem>> -> memref<128xi32, #tpu.memory_space<vmem>>
        %dma_start3A_281 = arith.constant 0 : i32
        %dma_start3A_282 = arith.constant 0 : i32
        %dma_start3A_283 = tpu.memref_slice %arg3[%dma_start3A_281, %dma_start3A_282] : memref<1000000x64xf32, #tpu.memory_space<hbm>> -> memref<1000000x64xf32, #tpu.memory_space<hbm>>
        tpu.enqueue_indirect_dma source(%dma_start3A_283 : memref<1000000x64xf32, #tpu.memory_space<hbm>>) target(%arg8 : memref<128x64xf32, #tpu.memory_space<vmem>>) offsets(%dma_start3A_280 : memref<128xi32, #tpu.memory_space<vmem>>) semaphore(%arg16 : memref<!tpu.dma_semaphore, #tpu.memory_space<semaphore_mem>>)
      } else {
      }
      %add3A_204 = arith.constant 5 : i32
      %add3A_205 = arith.addi %mul3A_91, %add3A_204 : i32
      %dma_wait3A_206 = arith.constant 0 : i32
      %dma_wait3A_207 = arith.constant 0 : i32
      %dma_wait3A_208 = tpu.memref_slice %arg3[%dma_wait3A_206, %dma_wait3A_207] : memref<1000000x64xf32, #tpu.memory_space<hbm>> -> memref<128x64xf32, #tpu.memory_space<hbm>>
      %dma_wait3A_209 = arith.constant 0 : i32
      %dma_wait3A_210 = arith.constant 0 : i32
      %dma_wait3A_211 = tpu.memref_slice %arg3[%dma_wait3A_209, %dma_wait3A_210] : memref<1000000x64xf32, #tpu.memory_space<hbm>> -> memref<128x64xf32, #tpu.memory_space<hbm>>
      tpu.wait_dma2 semaphore(%arg19 : memref<!tpu.dma_semaphore, #tpu.memory_space<semaphore_mem>>) src(%dma_wait3A_211 : memref<128x64xf32, #tpu.memory_space<hbm>>) dst(%arg11 : memref<128x64xf32, #tpu.memory_space<vmem>>)
      %mul3A_212 = arith.constant 128 : i32
      %mul3A_213 = arith.muli %add3A_205, %mul3A_212 : i32
      %add3A_214 = arith.addi %mul3A_2, %mul3A_213 : i32
      %multiple_of3A_215 = tpu.assume_multiple %add3A_214, 128 : i32
      %dma_start3A_216 = arith.constant 0 : i32
      %dma_start3A_217 = tpu.memref_slice %arg4[%multiple_of3A_215, %dma_start3A_216] : memref<819200x64xf32, #tpu.memory_space<hbm>> -> memref<128x64xf32, #tpu.memory_space<hbm>>
      %dma_start3A_218 = arith.constant 0 : i32
      %dma_start3A_219 = tpu.memref_slice %arg4[%multiple_of3A_215, %dma_start3A_218] : memref<819200x64xf32, #tpu.memory_space<hbm>> -> memref<128x64xf32, #tpu.memory_space<hbm>>
      tpu.enqueue_dma source(%arg11 : memref<128x64xf32, #tpu.memory_space<vmem>>) target(%dma_start3A_219 : memref<128x64xf32, #tpu.memory_space<hbm>>) target_semaphore(%arg27 : memref<!tpu.dma_semaphore, #tpu.memory_space<semaphore_mem>>)
      %add3A_220 = arith.constant 6 : i32
      %add3A_221 = arith.addi %add3A_205, %add3A_220 : i32
      %lt3A_222 = arith.constant 200 : i32
      %lt3A_223 = arith.cmpi slt, %add3A_221, %lt3A_222 : i32
      %convert_element_type3A_224 = arith.extui %lt3A_223 : i1 to i32
      %cond3A_225 = arith.constant 0 : i32
      %cond3A_226 = arith.cmpi ne, %convert_element_type3A_224, %cond3A_225 : i32
      scf.if %cond3A_226 {
        %ge3A = arith.constant 8 : i32
        %ge3A_273 = arith.cmpi sge, %add3A_221, %ge3A : i32
        %convert_element_type3A_274 = arith.extui %ge3A_273 : i1 to i32
        %cond3A_275 = arith.constant 0 : i32
        %cond3A_276 = arith.cmpi ne, %convert_element_type3A_274, %cond3A_275 : i32
        scf.if %cond3A_276 {
          %dma_wait3A_284 = arith.constant 0 : i32
          %dma_wait3A_285 = arith.constant 0 : i32
          %dma_wait3A_286 = tpu.memref_slice %arg4[%dma_wait3A_284, %dma_wait3A_285] : memref<819200x64xf32, #tpu.memory_space<hbm>> -> memref<128x64xf32, #tpu.memory_space<hbm>>
          %dma_wait3A_287 = arith.constant 0 : i32
          %dma_wait3A_288 = arith.constant 0 : i32
          %dma_wait3A_289 = tpu.memref_slice %arg4[%dma_wait3A_287, %dma_wait3A_288] : memref<819200x64xf32, #tpu.memory_space<hbm>> -> memref<128x64xf32, #tpu.memory_space<hbm>>
          tpu.wait_dma2 semaphore(%arg25 : memref<!tpu.dma_semaphore, #tpu.memory_space<semaphore_mem>>) src(%arg9 : memref<128x64xf32, #tpu.memory_space<vmem>>) dst(%dma_wait3A_289 : memref<128x64xf32, #tpu.memory_space<hbm>>)
        } else {
        }
        %mul3A_277 = arith.constant 128 : i32
        %mul3A_278 = arith.muli %add3A_221, %mul3A_277 : i32
        %multiple_of3A_279 = tpu.assume_multiple %mul3A_278, 128 : i32
        %dma_start3A_280 = tpu.memref_slice %arg5[%multiple_of3A_279] : memref<25600xi32, #tpu.memory_space<vmem>> -> memref<128xi32, #tpu.memory_space<vmem>>
        %dma_start3A_281 = arith.constant 0 : i32
        %dma_start3A_282 = arith.constant 0 : i32
        %dma_start3A_283 = tpu.memref_slice %arg3[%dma_start3A_281, %dma_start3A_282] : memref<1000000x64xf32, #tpu.memory_space<hbm>> -> memref<1000000x64xf32, #tpu.memory_space<hbm>>
        tpu.enqueue_indirect_dma source(%dma_start3A_283 : memref<1000000x64xf32, #tpu.memory_space<hbm>>) target(%arg9 : memref<128x64xf32, #tpu.memory_space<vmem>>) offsets(%dma_start3A_280 : memref<128xi32, #tpu.memory_space<vmem>>) semaphore(%arg17 : memref<!tpu.dma_semaphore, #tpu.memory_space<semaphore_mem>>)
      } else {
      }
      %add3A_227 = arith.constant 6 : i32
      %add3A_228 = arith.addi %mul3A_91, %add3A_227 : i32
      %dma_wait3A_229 = arith.constant 0 : i32
      %dma_wait3A_230 = arith.constant 0 : i32
      %dma_wait3A_231 = tpu.memref_slice %arg3[%dma_wait3A_229, %dma_wait3A_230] : memref<1000000x64xf32, #tpu.memory_space<hbm>> -> memref<128x64xf32, #tpu.memory_space<hbm>>
      %dma_wait3A_232 = arith.constant 0 : i32
      %dma_wait3A_233 = arith.constant 0 : i32
      %dma_wait3A_234 = tpu.memref_slice %arg3[%dma_wait3A_232, %dma_wait3A_233] : memref<1000000x64xf32, #tpu.memory_space<hbm>> -> memref<128x64xf32, #tpu.memory_space<hbm>>
      tpu.wait_dma2 semaphore(%arg20 : memref<!tpu.dma_semaphore, #tpu.memory_space<semaphore_mem>>) src(%dma_wait3A_234 : memref<128x64xf32, #tpu.memory_space<hbm>>) dst(%arg12 : memref<128x64xf32, #tpu.memory_space<vmem>>)
      %mul3A_235 = arith.constant 128 : i32
      %mul3A_236 = arith.muli %add3A_228, %mul3A_235 : i32
      %add3A_237 = arith.addi %mul3A_2, %mul3A_236 : i32
      %multiple_of3A_238 = tpu.assume_multiple %add3A_237, 128 : i32
      %dma_start3A_239 = arith.constant 0 : i32
      %dma_start3A_240 = tpu.memref_slice %arg4[%multiple_of3A_238, %dma_start3A_239] : memref<819200x64xf32, #tpu.memory_space<hbm>> -> memref<128x64xf32, #tpu.memory_space<hbm>>
      %dma_start3A_241 = arith.constant 0 : i32
      %dma_start3A_242 = tpu.memref_slice %arg4[%multiple_of3A_238, %dma_start3A_241] : memref<819200x64xf32, #tpu.memory_space<hbm>> -> memref<128x64xf32, #tpu.memory_space<hbm>>
      tpu.enqueue_dma source(%arg12 : memref<128x64xf32, #tpu.memory_space<vmem>>) target(%dma_start3A_242 : memref<128x64xf32, #tpu.memory_space<hbm>>) target_semaphore(%arg28 : memref<!tpu.dma_semaphore, #tpu.memory_space<semaphore_mem>>)
      %add3A_243 = arith.constant 6 : i32
      %add3A_244 = arith.addi %add3A_228, %add3A_243 : i32
      %lt3A_245 = arith.constant 200 : i32
      %lt3A_246 = arith.cmpi slt, %add3A_244, %lt3A_245 : i32
      %convert_element_type3A_247 = arith.extui %lt3A_246 : i1 to i32
      %cond3A_248 = arith.constant 0 : i32
      %cond3A_249 = arith.cmpi ne, %convert_element_type3A_247, %cond3A_248 : i32
      scf.if %cond3A_249 {
        %ge3A = arith.constant 8 : i32
        %ge3A_273 = arith.cmpi sge, %add3A_244, %ge3A : i32
        %convert_element_type3A_274 = arith.extui %ge3A_273 : i1 to i32
        %cond3A_275 = arith.constant 0 : i32
        %cond3A_276 = arith.cmpi ne, %convert_element_type3A_274, %cond3A_275 : i32
        scf.if %cond3A_276 {
          %dma_wait3A_284 = arith.constant 0 : i32
          %dma_wait3A_285 = arith.constant 0 : i32
          %dma_wait3A_286 = tpu.memref_slice %arg4[%dma_wait3A_284, %dma_wait3A_285] : memref<819200x64xf32, #tpu.memory_space<hbm>> -> memref<128x64xf32, #tpu.memory_space<hbm>>
          %dma_wait3A_287 = arith.constant 0 : i32
          %dma_wait3A_288 = arith.constant 0 : i32
          %dma_wait3A_289 = tpu.memref_slice %arg4[%dma_wait3A_287, %dma_wait3A_288] : memref<819200x64xf32, #tpu.memory_space<hbm>> -> memref<128x64xf32, #tpu.memory_space<hbm>>
          tpu.wait_dma2 semaphore(%arg26 : memref<!tpu.dma_semaphore, #tpu.memory_space<semaphore_mem>>) src(%arg10 : memref<128x64xf32, #tpu.memory_space<vmem>>) dst(%dma_wait3A_289 : memref<128x64xf32, #tpu.memory_space<hbm>>)
        } else {
        }
        %mul3A_277 = arith.constant 128 : i32
        %mul3A_278 = arith.muli %add3A_244, %mul3A_277 : i32
        %multiple_of3A_279 = tpu.assume_multiple %mul3A_278, 128 : i32
        %dma_start3A_280 = tpu.memref_slice %arg5[%multiple_of3A_279] : memref<25600xi32, #tpu.memory_space<vmem>> -> memref<128xi32, #tpu.memory_space<vmem>>
        %dma_start3A_281 = arith.constant 0 : i32
        %dma_start3A_282 = arith.constant 0 : i32
        %dma_start3A_283 = tpu.memref_slice %arg3[%dma_start3A_281, %dma_start3A_282] : memref<1000000x64xf32, #tpu.memory_space<hbm>> -> memref<1000000x64xf32, #tpu.memory_space<hbm>>
        tpu.enqueue_indirect_dma source(%dma_start3A_283 : memref<1000000x64xf32, #tpu.memory_space<hbm>>) target(%arg10 : memref<128x64xf32, #tpu.memory_space<vmem>>) offsets(%dma_start3A_280 : memref<128xi32, #tpu.memory_space<vmem>>) semaphore(%arg18 : memref<!tpu.dma_semaphore, #tpu.memory_space<semaphore_mem>>)
      } else {
      }
      %add3A_250 = arith.constant 7 : i32
      %add3A_251 = arith.addi %mul3A_91, %add3A_250 : i32
      %dma_wait3A_252 = arith.constant 0 : i32
      %dma_wait3A_253 = arith.constant 0 : i32
      %dma_wait3A_254 = tpu.memref_slice %arg3[%dma_wait3A_252, %dma_wait3A_253] : memref<1000000x64xf32, #tpu.memory_space<hbm>> -> memref<128x64xf32, #tpu.memory_space<hbm>>
      %dma_wait3A_255 = arith.constant 0 : i32
      %dma_wait3A_256 = arith.constant 0 : i32
      %dma_wait3A_257 = tpu.memref_slice %arg3[%dma_wait3A_255, %dma_wait3A_256] : memref<1000000x64xf32, #tpu.memory_space<hbm>> -> memref<128x64xf32, #tpu.memory_space<hbm>>
      tpu.wait_dma2 semaphore(%arg21 : memref<!tpu.dma_semaphore, #tpu.memory_space<semaphore_mem>>) src(%dma_wait3A_257 : memref<128x64xf32, #tpu.memory_space<hbm>>) dst(%arg13 : memref<128x64xf32, #tpu.memory_space<vmem>>)
      %mul3A_258 = arith.constant 128 : i32
      %mul3A_259 = arith.muli %add3A_251, %mul3A_258 : i32
      %add3A_260 = arith.addi %mul3A_2, %mul3A_259 : i32
      %multiple_of3A_261 = tpu.assume_multiple %add3A_260, 128 : i32
      %dma_start3A_262 = arith.constant 0 : i32
      %dma_start3A_263 = tpu.memref_slice %arg4[%multiple_of3A_261, %dma_start3A_262] : memref<819200x64xf32, #tpu.memory_space<hbm>> -> memref<128x64xf32, #tpu.memory_space<hbm>>
      %dma_start3A_264 = arith.constant 0 : i32
      %dma_start3A_265 = tpu.memref_slice %arg4[%multiple_of3A_261, %dma_start3A_264] : memref<819200x64xf32, #tpu.memory_space<hbm>> -> memref<128x64xf32, #tpu.memory_space<hbm>>
      tpu.enqueue_dma source(%arg13 : memref<128x64xf32, #tpu.memory_space<vmem>>) target(%dma_start3A_265 : memref<128x64xf32, #tpu.memory_space<hbm>>) target_semaphore(%arg29 : memref<!tpu.dma_semaphore, #tpu.memory_space<semaphore_mem>>)
      %add3A_266 = arith.constant 6 : i32
      %add3A_267 = arith.addi %add3A_251, %add3A_266 : i32
      %lt3A_268 = arith.constant 200 : i32
      %lt3A_269 = arith.cmpi slt, %add3A_267, %lt3A_268 : i32
      %convert_element_type3A_270 = arith.extui %lt3A_269 : i1 to i32
      %cond3A_271 = arith.constant 0 : i32
      %cond3A_272 = arith.cmpi ne, %convert_element_type3A_270, %cond3A_271 : i32
      scf.if %cond3A_272 {
        %ge3A = arith.constant 8 : i32
        %ge3A_273 = arith.cmpi sge, %add3A_267, %ge3A : i32
        %convert_element_type3A_274 = arith.extui %ge3A_273 : i1 to i32
        %cond3A_275 = arith.constant 0 : i32
        %cond3A_276 = arith.cmpi ne, %convert_element_type3A_274, %cond3A_275 : i32
        scf.if %cond3A_276 {
          %dma_wait3A_284 = arith.constant 0 : i32
          %dma_wait3A_285 = arith.constant 0 : i32
          %dma_wait3A_286 = tpu.memref_slice %arg4[%dma_wait3A_284, %dma_wait3A_285] : memref<819200x64xf32, #tpu.memory_space<hbm>> -> memref<128x64xf32, #tpu.memory_space<hbm>>
          %dma_wait3A_287 = arith.constant 0 : i32
          %dma_wait3A_288 = arith.constant 0 : i32
          %dma_wait3A_289 = tpu.memref_slice %arg4[%dma_wait3A_287, %dma_wait3A_288] : memref<819200x64xf32, #tpu.memory_space<hbm>> -> memref<128x64xf32, #tpu.memory_space<hbm>>
          tpu.wait_dma2 semaphore(%arg27 : memref<!tpu.dma_semaphore, #tpu.memory_space<semaphore_mem>>) src(%arg11 : memref<128x64xf32, #tpu.memory_space<vmem>>) dst(%dma_wait3A_289 : memref<128x64xf32, #tpu.memory_space<hbm>>)
        } else {
        }
        %mul3A_277 = arith.constant 128 : i32
        %mul3A_278 = arith.muli %add3A_267, %mul3A_277 : i32
        %multiple_of3A_279 = tpu.assume_multiple %mul3A_278, 128 : i32
        %dma_start3A_280 = tpu.memref_slice %arg5[%multiple_of3A_279] : memref<25600xi32, #tpu.memory_space<vmem>> -> memref<128xi32, #tpu.memory_space<vmem>>
        %dma_start3A_281 = arith.constant 0 : i32
        %dma_start3A_282 = arith.constant 0 : i32
        %dma_start3A_283 = tpu.memref_slice %arg3[%dma_start3A_281, %dma_start3A_282] : memref<1000000x64xf32, #tpu.memory_space<hbm>> -> memref<1000000x64xf32, #tpu.memory_space<hbm>>
        tpu.enqueue_indirect_dma source(%dma_start3A_283 : memref<1000000x64xf32, #tpu.memory_space<hbm>>) target(%arg11 : memref<128x64xf32, #tpu.memory_space<vmem>>) offsets(%dma_start3A_280 : memref<128xi32, #tpu.memory_space<vmem>>) semaphore(%arg19 : memref<!tpu.dma_semaphore, #tpu.memory_space<semaphore_mem>>)
      } else {
      }
    }
    %scan3A_41 = arith.constant 25 : i32
    %dma_wait3A = arith.constant 0 : i32
    %dma_wait3A_42 = arith.constant 0 : i32
    %dma_wait3A_43 = tpu.memref_slice %arg4[%dma_wait3A, %dma_wait3A_42] : memref<819200x64xf32, #tpu.memory_space<hbm>> -> memref<128x64xf32, #tpu.memory_space<hbm>>
    %dma_wait3A_44 = arith.constant 0 : i32
    %dma_wait3A_45 = arith.constant 0 : i32
    %dma_wait3A_46 = tpu.memref_slice %arg4[%dma_wait3A_44, %dma_wait3A_45] : memref<819200x64xf32, #tpu.memory_space<hbm>> -> memref<128x64xf32, #tpu.memory_space<hbm>>
    tpu.wait_dma2 semaphore(%arg22 : memref<!tpu.dma_semaphore, #tpu.memory_space<semaphore_mem>>) src(%arg6 : memref<128x64xf32, #tpu.memory_space<vmem>>) dst(%dma_wait3A_46 : memref<128x64xf32, #tpu.memory_space<hbm>>)
    %dma_wait3A_47 = arith.constant 0 : i32
    %dma_wait3A_48 = arith.constant 0 : i32
    %dma_wait3A_49 = tpu.memref_slice %arg4[%dma_wait3A_47, %dma_wait3A_48] : memref<819200x64xf32, #tpu.memory_space<hbm>> -> memref<128x64xf32, #tpu.memory_space<hbm>>
    %dma_wait3A_50 = arith.constant 0 : i32
    %dma_wait3A_51 = arith.constant 0 : i32
    %dma_wait3A_52 = tpu.memref_slice %arg4[%dma_wait3A_50, %dma_wait3A_51] : memref<819200x64xf32, #tpu.memory_space<hbm>> -> memref<128x64xf32, #tpu.memory_space<hbm>>
    tpu.wait_dma2 semaphore(%arg23 : memref<!tpu.dma_semaphore, #tpu.memory_space<semaphore_mem>>) src(%arg7 : memref<128x64xf32, #tpu.memory_space<vmem>>) dst(%dma_wait3A_52 : memref<128x64xf32, #tpu.memory_space<hbm>>)
    %dma_wait3A_53 = arith.constant 0 : i32
    %dma_wait3A_54 = arith.constant 0 : i32
    %dma_wait3A_55 = tpu.memref_slice %arg4[%dma_wait3A_53, %dma_wait3A_54] : memref<819200x64xf32, #tpu.memory_space<hbm>> -> memref<128x64xf32, #tpu.memory_space<hbm>>
    %dma_wait3A_56 = arith.constant 0 : i32
    %dma_wait3A_57 = arith.constant 0 : i32
    %dma_wait3A_58 = tpu.memref_slice %arg4[%dma_wait3A_56, %dma_wait3A_57] : memref<819200x64xf32, #tpu.memory_space<hbm>> -> memref<128x64xf32, #tpu.memory_space<hbm>>
    tpu.wait_dma2 semaphore(%arg24 : memref<!tpu.dma_semaphore, #tpu.memory_space<semaphore_mem>>) src(%arg8 : memref<128x64xf32, #tpu.memory_space<vmem>>) dst(%dma_wait3A_58 : memref<128x64xf32, #tpu.memory_space<hbm>>)
    %dma_wait3A_59 = arith.constant 0 : i32
    %dma_wait3A_60 = arith.constant 0 : i32
    %dma_wait3A_61 = tpu.memref_slice %arg4[%dma_wait3A_59, %dma_wait3A_60] : memref<819200x64xf32, #tpu.memory_space<hbm>> -> memref<128x64xf32, #tpu.memory_space<hbm>>
    %dma_wait3A_62 = arith.constant 0 : i32
    %dma_wait3A_63 = arith.constant 0 : i32
    %dma_wait3A_64 = tpu.memref_slice %arg4[%dma_wait3A_62, %dma_wait3A_63] : memref<819200x64xf32, #tpu.memory_space<hbm>> -> memref<128x64xf32, #tpu.memory_space<hbm>>
    tpu.wait_dma2 semaphore(%arg25 : memref<!tpu.dma_semaphore, #tpu.memory_space<semaphore_mem>>) src(%arg9 : memref<128x64xf32, #tpu.memory_space<vmem>>) dst(%dma_wait3A_64 : memref<128x64xf32, #tpu.memory_space<hbm>>)
    %dma_wait3A_65 = arith.constant 0 : i32
    %dma_wait3A_66 = arith.constant 0 : i32
    %dma_wait3A_67 = tpu.memref_slice %arg4[%dma_wait3A_65, %dma_wait3A_66] : memref<819200x64xf32, #tpu.memory_space<hbm>> -> memref<128x64xf32, #tpu.memory_space<hbm>>
    %dma_wait3A_68 = arith.constant 0 : i32
    %dma_wait3A_69 = arith.constant 0 : i32
    %dma_wait3A_70 = tpu.memref_slice %arg4[%dma_wait3A_68, %dma_wait3A_69] : memref<819200x64xf32, #tpu.memory_space<hbm>> -> memref<128x64xf32, #tpu.memory_space<hbm>>
    tpu.wait_dma2 semaphore(%arg26 : memref<!tpu.dma_semaphore, #tpu.memory_space<semaphore_mem>>) src(%arg10 : memref<128x64xf32, #tpu.memory_space<vmem>>) dst(%dma_wait3A_70 : memref<128x64xf32, #tpu.memory_space<hbm>>)
    %dma_wait3A_71 = arith.constant 0 : i32
    %dma_wait3A_72 = arith.constant 0 : i32
    %dma_wait3A_73 = tpu.memref_slice %arg4[%dma_wait3A_71, %dma_wait3A_72] : memref<819200x64xf32, #tpu.memory_space<hbm>> -> memref<128x64xf32, #tpu.memory_space<hbm>>
    %dma_wait3A_74 = arith.constant 0 : i32
    %dma_wait3A_75 = arith.constant 0 : i32
    %dma_wait3A_76 = tpu.memref_slice %arg4[%dma_wait3A_74, %dma_wait3A_75] : memref<819200x64xf32, #tpu.memory_space<hbm>> -> memref<128x64xf32, #tpu.memory_space<hbm>>
    tpu.wait_dma2 semaphore(%arg27 : memref<!tpu.dma_semaphore, #tpu.memory_space<semaphore_mem>>) src(%arg11 : memref<128x64xf32, #tpu.memory_space<vmem>>) dst(%dma_wait3A_76 : memref<128x64xf32, #tpu.memory_space<hbm>>)
    %dma_wait3A_77 = arith.constant 0 : i32
    %dma_wait3A_78 = arith.constant 0 : i32
    %dma_wait3A_79 = tpu.memref_slice %arg4[%dma_wait3A_77, %dma_wait3A_78] : memref<819200x64xf32, #tpu.memory_space<hbm>> -> memref<128x64xf32, #tpu.memory_space<hbm>>
    %dma_wait3A_80 = arith.constant 0 : i32
    %dma_wait3A_81 = arith.constant 0 : i32
    %dma_wait3A_82 = tpu.memref_slice %arg4[%dma_wait3A_80, %dma_wait3A_81] : memref<819200x64xf32, #tpu.memory_space<hbm>> -> memref<128x64xf32, #tpu.memory_space<hbm>>
    tpu.wait_dma2 semaphore(%arg28 : memref<!tpu.dma_semaphore, #tpu.memory_space<semaphore_mem>>) src(%arg12 : memref<128x64xf32, #tpu.memory_space<vmem>>) dst(%dma_wait3A_82 : memref<128x64xf32, #tpu.memory_space<hbm>>)
    %dma_wait3A_83 = arith.constant 0 : i32
    %dma_wait3A_84 = arith.constant 0 : i32
    %dma_wait3A_85 = tpu.memref_slice %arg4[%dma_wait3A_83, %dma_wait3A_84] : memref<819200x64xf32, #tpu.memory_space<hbm>> -> memref<128x64xf32, #tpu.memory_space<hbm>>
    %dma_wait3A_86 = arith.constant 0 : i32
    %dma_wait3A_87 = arith.constant 0 : i32
    %dma_wait3A_88 = tpu.memref_slice %arg4[%dma_wait3A_86, %dma_wait3A_87] : memref<819200x64xf32, #tpu.memory_space<hbm>> -> memref<128x64xf32, #tpu.memory_space<hbm>>
    tpu.wait_dma2 semaphore(%arg29 : memref<!tpu.dma_semaphore, #tpu.memory_space<semaphore_mem>>) src(%arg13 : memref<128x64xf32, #tpu.memory_space<vmem>>) dst(%dma_wait3A_88 : memref<128x64xf32, #tpu.memory_space<hbm>>)
    return
  }
}

</mosaic_0001>

<sc_bundles>
// kernel: kernel.3.cloned.1.call-start
scs
__scs_entry_jumppad:
0x0: {  	(pc) =	sbr.rel $0x88, $3  }
0x1: {  	(tag) =	ssettag $0x0;
	lr =	simm.s32 $0x1  }
0x2: {  	[smem:$0x3F9F] =	sst lr;
	_ =	strace $0xD0000000  }
0x3: {  	_ = 	snop  }
0x4: {  	_ = 	snop  }
0x5: {  	_ = 	snop  }
0x6: {  	_ = 	snop  }
0x7: {  	_ = 	snop  }
__scs_overlays_trampoline_lowered:
0x8: {  	[smem:$0x3FAE] =	sst s0  }
0x9: {  	[smem:$0x3FAF] =	sst s1  }
0xa: {  	[smem:$0x3FB0] =	sst s2  }
0xb: {  	[smem:$0x3FB1] =	sst s3  }
0xc: {  	[smem:$0x3FB2] =	sst s4  }
0xd: {  	[smem:$0x3FB3] =	sst s5  }
0xe: {  	[smem:$0x3FB4] =	sst s6  }
0xf: {  	[smem:$0x3FB5] =	sst s7  }
0x10: {  	[smem:$0x3FB6] =	sst s8  }
0x11: {  	[smem:$0x3FB7] =	sst s9;
	s0 =	simm.s32 @!p0 $0x0  }
0x12: {  	s1 =	sld [smem:$0x3F9D];
	s0 =	simm.s32 @p0 $0x1  }
0x13: {  	[smem:$0x3FB8] =	sst s0;
	s0 =	simm.s32 @!p1 $0x0  }
0x14: {  	s2 =	sld [smem:$0x3F9C];
	s0 =	simm.s32 @p1 $0x1  }
0x15: {  	[smem:$0x3FB9] =	sst s0;
	s0 =	simm.s32 @!p2 $0x0  }
0x16: {  	s3 =	sld [smem:$0x3FDB];
	s0 =	simm.s32 @p2 $0x1  }
0x17: {  	s4 =	simm.s32 $0x1BF5;
	[smem:$0x3FBB] =	sst s0  }
0x18: {  	s0 =	sld [smem:$0x3F9E];
	_ =	swait.ge [sflag:s4], $0x0  }
0x19: {  	s7 =	sld [smem:$0x3F9F]  }
0x1a: {  	s8 =	sadd.s32 $0xFFFFE003, lr  }
0x1b: {  	s9 =	sadd.s32 $0xFFFFFEF7, lr;
	s5 =	simm.s32 $0xFFFFFFFF;
	p2 =	slt.u32 s8, $0xFFFFF086  }
0x1c: {  	p1 =	slt.u32 s9, $0xF7A;
	s5 =	simm.s32 @!p2 $0x0  }
0x1d: {  	s5 =	simm.s32 @p1 $0x1;
	p0 =	seq.s32 s7, s2  }
0x1e: {  	s7 =	smul.u32 @!p0 $0xF7A, s2;
	p2 =	seq.s32 @!p0 s5, $0x0  }
0x1f: {  	s9 =	smul.u32 $0xF7A, s1;
	s8 =	simm.s32 @!p0 $0x1BF5;
	p2 =	por !p2, p0  }
0x20: {  	[sflag:s8] =	ssyncset.s32 @!p0 $0xFFFFF086;
	s6 =	sadd.s32 @!p0 s3, s7;
	s7 =	simm.s32 @!p0 $0x108  }
0x21: {  	s3 =	sadd.s32 s3, s9;
	s6 =	sadd.s32 @!p0 $0x88, s6;
	s7 =	simm.s32 @p2 $0x1082  }
0x22: {  	[simem:s7], [sflag:s8] =	dma.local @!p0 [hbm:s6], $0xF7A  }
0x23: {  	s9 =	sor.u32 $0xD0000000, s2;
	s6 =	simm.s32 $0x108;
	_ =	swait.ge @!p0 [sflag:s8], $0x0  }
0x24: {  	s3 =	sadd.s32 $0x88, s3;
	s6 =	simm.s32 @!p1 $0x1082;
	[sflag:s4] =	ssyncset.s32 $0xFFFFF086  }
0x25: {  	[simem:s6], [sflag:s4] =	dma.local [hbm:s3], $0xF7A  }
0x26: {  	[smem:$0x3F9F] =	sst s1;
	(tag) =	ssettag s2;
	_ =	strace s9  }
0x27: {  	s1 =	sld [smem:$0x3FAF]  }
0x28: {  	s2 =	sld [smem:$0x3FB0]  }
0x29: {  	s4 =	sld [smem:$0x3FB2]  }
0x2a: {  	p0 =	seq.s32 s5, $0x0;
	s5 =	sld [smem:$0x3FB3]  }
0x2b: {  	s6 =	sld [smem:$0x3FB4]  }
0x2c: {  	s7 =	sld [smem:$0x3FB5]  }
0x2d: {  	s3 =	simm.s32 $0x108;
	s8 =	sld [smem:$0x3FB6]  }
0x2e: {  	s3 =	simm.s32 @!p0 $0x1082;
	s9 =	sld [smem:$0x3FB7]  }
0x2f: {  	lr =	sadd.s32 s0, s3;
	s0 =	sld [smem:$0x3FAE]  }
0x30: {  	s3 =	sld [smem:$0x3FB1]  }
0x31: {  	[smem:$0x3FBA] =	sst s10  }
0x32: {  	s10 =	sld [smem:$0x3FB8];
	_ =	sdelay $0x3  }
0x33: {  	p0 =	seq.s32 s10, $0x1;
	s10 =	sld [smem:$0x3FBA];
	_ =	sdelay $0x3  }
0x34: {  	[smem:$0x3FBA] =	sst s10  }
0x35: {  	s10 =	sld [smem:$0x3FB9];
	_ =	sdelay $0x3  }
0x36: {  	p1 =	seq.s32 s10, $0x1;
	s10 =	sld [smem:$0x3FBA];
	_ =	sdelay $0x3  }
0x37: {  	[smem:$0x3FBA] =	sst s10  }
0x38: {  	s10 =	sld [smem:$0x3FBB]  }
0x39: {  	_ = 	snop;
	(pc) =	sbr.ind lr, $3  }
0x3a: {  	_ = 	snop  }
0x3b: {  	_ = 	snop  }
0x3c: {  	p2 =	seq.s32 s10, $0x1;
	s10 =	sld [smem:$0x3FBA]  }
0x3d: {  	_ =	shalt  }
0x3e: {  	_ =	shalt  }
0x3f: {  	_ =	shalt  }
0x40: {  	_ =	shalt  }
0x41: {  	_ =	shalt  }
0x42: {  	_ =	shalt  }
0x43: {  	_ =	shalt  }
0x44: {  	_ =	shalt  }
0x45: {  	_ =	shalt  }
0x46: {  	_ =	shalt  }
0x47: {  	_ =	shalt  }
0x48: {  	_ =	shalt  }
0x49: {  	_ =	shalt  }
0x4a: {  	_ =	shalt  }
0x4b: {  	_ =	shalt  }
0x4c: {  	_ =	shalt  }
0x4d: {  	_ =	shalt  }
0x4e: {  	_ =	shalt  }
0x4f: {  	_ =	shalt  }
0x50: {  	_ =	shalt  }
0x51: {  	_ =	shalt  }
0x52: {  	_ =	shalt  }
0x53: {  	_ =	shalt  }
0x54: {  	_ =	shalt  }
0x55: {  	_ =	shalt  }
0x56: {  	_ =	shalt  }
0x57: {  	_ =	shalt  }
0x58: {  	_ =	shalt  }
0x59: {  	_ =	shalt  }
0x5a: {  	_ =	shalt  }
0x5b: {  	_ =	shalt  }
0x5c: {  	_ =	shalt  }
0x5d: {  	_ =	shalt  }
0x5e: {  	_ =	shalt  }
0x5f: {  	_ =	shalt  }
0x60: {  	_ =	shalt  }
0x61: {  	_ =	shalt  }
0x62: {  	_ =	shalt  }
0x63: {  	_ =	shalt  }
0x64: {  	_ =	shalt  }
0x65: {  	_ =	shalt  }
0x66: {  	_ =	shalt  }
0x67: {  	_ =	shalt  }
0x68: {  	_ =	shalt  }
0x69: {  	_ =	shalt  }
0x6a: {  	_ =	shalt  }
0x6b: {  	_ =	shalt  }
0x6c: {  	_ =	shalt  }
0x6d: {  	_ =	shalt  }
0x6e: {  	_ =	shalt  }
0x6f: {  	_ =	shalt  }
0x70: {  	_ =	shalt  }
0x71: {  	_ =	shalt  }
0x72: {  	_ =	shalt  }
0x73: {  	_ =	shalt  }
0x74: {  	_ =	shalt  }
0x75: {  	_ =	shalt  }
0x76: {  	_ =	shalt  }
0x77: {  	_ =	shalt  }
0x78: {  	_ =	shalt  }
0x79: {  	_ =	shalt  }
0x7a: {  	_ =	shalt  }
0x7b: {  	_ =	shalt  }
0x7c: {  	_ =	shalt  }
0x7d: {  	_ =	shalt  }
0x7e: {  	_ =	shalt  }
0x7f: {  	_ =	shalt  }
0x80: {  	_ =	shalt  }
0x81: {  	_ =	shalt  }
0x82: {  	_ =	shalt  }
0x83: {  	_ =	shalt  }
0x84: {  	_ =	shalt  }
0x85: {  	_ =	shalt  }
0x86: {  	_ =	shalt  }
0x87: {  	_ =	shalt  }
.Lfunc_end0:
.L_simem_size_0:
called_computation.1_lowered:
.L_overlay_start_0:
0x88: {  	s2 =	sld [smem:$0x3FD9]  }
0x89: {  	s3 =	sld [smem:$0x3FFE];
	_ =	sdelay $0x1  }
0x8a: {  	s1 =	srdreg.scid  }
0x8b: {  	s0 =	sand.u32 $0x1, s1  }
0x8c: {  	s17 =	sshll.u32 s0, $0xA;
	s2 =	sadd.s32 s3, s2  }
0x8d: {  	s2 =	sadd.s32 s2, s17  }
0x8e: {  	[smem:$0x3FC6] =	sst s2  }
0x8f: {  	_ = 	snop  }
0x90: {  	s2 =	sld [smem:$0x3FD0];
	(tm) =	ssettm $0x1  }
0x91: {  	s18 =	sld [smem:$0x3FFB];
	_ =	sdelay $0x3  }
0x92: {  	_ =	strace s18  }
0x93: {  	s3 =	sld [smem:$0x3FFC];
	_ =	sdelay $0x3  }
0x94: {  	_ =	strace s3  }
0x95: {  	s3 =	sld [smem:$0x3FFD];
	_ =	sdelay $0x3  }
0x96: {  	_ =	strace s3  }
0x97: {  	_ =	strace $0x8FFFFFFF  }
0x98: {  	s19 =	sld [smem:$0x3FDB];
	_ =	sdelay $0x1  }
0x99: {  	s4 =	simm.s32 $_scs_section_size  }
0x9a: {  	s5 =	simm.s32 $_size__tile_overlayer_lowered;
	s6 =	simm.s32 $_tile_overlayer_lowered  }
0x9b: {  	s22 =	simm.s32 $0x1BFF;
	s21 =	sshll.u32 s6, $0x1;
	s3 =	sadd.s32 s4, s19  }
0x9c: {  	s7 =	simm.s32 $0x0;
	s20 =	sshll.u32 s5, $0x1;
	s5 =	sadd.s32 s21, s3  }
0x9d: {  	[timem:s7], [sflag:s22] =	dma.local [hbm:s5], s20  }
0x9e: {  	_ =	swait.ge [sflag:s22], s20  }
0x9f: {  	s4 =	ssub.s32 $0x0, s20;
	[sflag:s22] =	ssyncset.done $0x0  }
0xa0: {  	[sflag:s22] =	ssyncadd.s32 s4;
	_ =	sdelay $0x1  }
0xa1: {  	s23 =	simm.s32 $0x1B8B  }
0xa2: {  	_ =	swait.ge [sflag:s23], $0x1  }
0xa3: {  	[sflag:s23] =	ssyncset.done $0x0  }
0xa4: {  	s25 =	simm.s32 $0x1B8E;
	s24 =	sld [smem:$0x3FFE];
	[sflag:s23] =	ssyncadd.s32 $0xFFFFFFFF  }
0xa5: {  	s26 =	simm.s32 $execute0_lowered;
	[smem:$0x3FD2] =	sst s25  }
0xa6: {  	s5 =	sshll.u32 s26, $0x1;
	_ =	strace $0x80000046;
	[dreg:$0x1] =	wrdreg $0xFFFFFFFF  }
0xa7: {  	s28 =	simm.s32 $_size_execute0_lowered;
	s3 =	sadd.s32 s3, s5;
	[dreg:$0x0] =	wrdreg $0x0  }
0xa8: {  	s5 =	sshll.u32 s28, $0x1;
	[dreg:$0x2] =	wrdreg s3  }
0xa9: {  	[dreg:$0x3] =	wrdreg s5  }
0xaa: {  	[dreg:$0x4] =	wrdreg $0xC0  }
0xab: {  	_ =	task [dreg:s7], $0x5FFFF  }
0xac: {  	[dreg:$0x1] =	wrdreg $0xFFFFFFFF  }
0xad: {  	[dreg:$0x0] =	wrdreg $0x60  }
0xae: {  	[dreg:$0x2] =	wrdreg s24  }
0xaf: {  	[dreg:$0x3] =	wrdreg s2  }
0xb0: {  	[dreg:$0x4] =	wrdreg $0x9  }
0xb1: {  	_ =	task.clear_ibuf [dreg:s7], $0x5FFFF;
	_ =	strace $0x90000046  }
0xb2: {  	s29 =	simm.s32 $0x9;
	_ =	strace $0x80000048  }
0xb3: {  	_ =	swait.ge [sflag:s29], $0x1  }
0xb4: {  	[sflag:s29] =	ssyncadd.s32 $0xFFFFFFFF  }
0xb5: {  	_ =	strace $0x90000048  }
0xb6: {  	_ =	sfence  }
0xb7: {  	s30 =	sld [smem:$0x0];
	_ =	sdelay $0x2  }
0xb8: {  	s31 =	sshll.u32 s1, $0xD;
	s1 =	sshrl.u32 s1, $0x2  }
0xb9: {  	s3 =	sand.u32 $0x4000, s31;
	s1 =	sadd.s32 s1, s30  }
0xba: {  	s0 =	sor.u32 s3, s0;
	s1 =	sshll.u32 s1, $0x11  }
0xbb: {  	s0 =	sor.u32 s1, s0  }
0xbc: {  	s0 =	sadd.s32 $0x8F2B, s0  }
0xbd: {  	[sflag:s0] =	ssyncadd.remote.s32 $0x1  }
0xbe: {  	_ =	sfence.sel $0xFFFF  }
0xbf: {  	[dreg:$0x0] =	wrdreg $0xFFFFFFFF;
	(pc) =	sbr.abs _section_cstart, $3  }
0xc0: {  	[dreg:$0x1] =	wrdreg $0xFFFFFFFF  }
0xc1: {  	_ =	task.clear_ibuf [dreg:s7], $0x2FFFF;
	_ =	strace $0x9FFFFFFF  }
0xc2: {  	(tm) =	ssettm $0x7FFFFFFF  }
0xc3: {  	_ =	shalt  }
tec
execute0_lowered:
.L_overlay_start_1:
0x0: {  	(tag) =	ssettag $0x1  }
0x1: {  	s0 =	srdreg.scid;
	s4 =	stileid.u32  }
0x2: {  	s1 =	rddreg [dreg:$0x0];
	s3 =	simm.s32 $0x0;
	s16 =	simm.s32 $0x80  }
0x3: {  	s28 =	simm.s32 $0x1;
	s29 =	simm.s32 $0x12400;
	s30 =	simm.s32 $0x2  }
0x4: {  	s31 =	simm.s32 $0x14400;
	s19 =	simm.s32 $0x6;
	s21 =	simm.s32 $0x7  }
0x5: {  	s23 =	simm.s32 $0x8;
	s17 =	simm.s32 $0x0;
	s5 =	smul.u32 $0x320000, s4  }
0x6: {  	s0 =	sand.u32 $0x1, s0;
	s2 =	sshll.u32 s4, $0x1;
	s6 =	smul.u32 $0xC800, s4  }
0x7: {  	[smem:$0x7FF] =	sst s3;
	s4 =	sadd.s32 $0xF42E00, s1;
	s8 =	smul.u32 $0x6400, s0  }
0x8: {  	s2 =	sor.u32 s0, s2;
	s7 =	ssub.s32 $0x2, s0;
	s0 =	smul.u32 $0x190000, s0  }
0x9: {  	_ =	strace $0x80000047;
	s2 =	smul.u32 $0x6400, s2;
	s9 =	sshrl.u32 s7, $0x1  }
0xa: {  	s24 =	ssub.s32 s7, s9;
	s6 =	sadd.s32 s8, s6;
	s0 =	sadd.s32 s0, s5  }
0xb: {  	s5 =	simm.s32 $0xE;
	s2 =	sshrl.u32 s2, $0x3;
	s25 =	sshll.u32 s6, $0x3  }
0xc: {  	s7 =	sshrl.u32 s0, $0x3;
	s26 =	sor.u32 $0xE000, s0;
	s0 =	sor.u32 $0xC000, s0  }
0xd: {  	s2 =	sadd.s32 s2, s1;
	s1 =	smax.u32 s24, $0x1;
	s8 =	sor.u32 $0x1400, s25  }
.Ltmp0:
0xe: {  	s9 =	sor.u32 $0x1000, s25;
	s10 =	sor.u32 $0xC00, s25;
	(pc) =	sbr.rel .LBB2_1-.Ltmp0, $4  }
0xf: {  	s11 =	sor.u32 $0x800, s25;
	s12 =	sor.u32 $0x400, s25;
	s13 =	sshrl.u32 s26, $0x3  }
0x10: {  	s14 =	sshrl.u32 s0, $0x3;
	s24 =	simm.s32 $0xE400;
	s26 =	simm.s32 $0x10400  }
0x11: {  	s0 =	simm.s32 $0x4;
	s2 =	sadd.s32 $0xA00, s2;
	[dreg:$0x4] =	wrdreg s1  }
0x12: {  	s1 =	simm.s32 $0x3;
	[dreg:$0x3] =	wrdreg s2;
	s2 =	simm.s32 $0x5  }
.LBB2_4:
0x13: {  	s6 =	simm.s32 $0x9  }
0x14: {  	_ =	swait.ge [sflag:s6], $0x2000  }
0x15: {  	[sflag:s6] =	ssyncset.done $0x0  }
0x16: {  	s15 =	simm.s32 $0xA;
	[sflag:s6] =	ssyncadd.s32 $0xFFFFE000  }
0x17: {  	_ =	swait.ge [sflag:s15], $0x2000  }
0x18: {  	[sflag:s15] =	ssyncset.done $0x0  }
0x19: {  	s17 =	simm.s32 $0xB;
	[sflag:s15] =	ssyncadd.s32 $0xFFFFE000  }
0x1a: {  	_ =	swait.ge [sflag:s17], $0x2000  }
0x1b: {  	[sflag:s17] =	ssyncset.done $0x0  }
0x1c: {  	s18 =	simm.s32 $0xC;
	[sflag:s17] =	ssyncadd.s32 $0xFFFFE000  }
0x1d: {  	_ =	swait.ge [sflag:s18], $0x2000  }
0x1e: {  	[sflag:s18] =	ssyncset.done $0x0  }
0x1f: {  	s20 =	simm.s32 $0xD;
	[sflag:s18] =	ssyncadd.s32 $0xFFFFE000  }
0x20: {  	_ =	swait.ge [sflag:s20], $0x2000  }
0x21: {  	[sflag:s20] =	ssyncset.done $0x0  }
0x22: {  	[sflag:s20] =	ssyncadd.s32 $0xFFFFE000  }
0x23: {  	_ =	swait.ge [sflag:s5], $0x2000  }
0x24: {  	[sflag:s5] =	ssyncset.done $0x0  }
0x25: {  	s22 =	simm.s32 $0xF;
	[sflag:s5] =	ssyncadd.s32 $0xFFFFE000  }
0x26: {  	_ =	swait.ge [sflag:s22], $0x2000  }
0x27: {  	[sflag:s22] =	ssyncset.done $0x0  }
0x28: {  	s15 =	simm.s32 $0x10;
	[sflag:s22] =	ssyncadd.s32 $0xFFFFE000  }
0x29: {  	_ =	swait.ge [sflag:s15], $0x2000  }
0x2a: {  	s17 =	rddreg [dreg:$0x5]  }
0x2b: {  	s25 =	rddreg [dreg:$0x4];
	s17 =	sadd.s32 $0x1, s17  }
0x2c: {  	p0 =	sne.s32 s17, s25  }
.Ltmp1:
0x2d: {  	_ = 	snop;
	(pc) =	sbr.rel @!p0 .LBB2_5-.Ltmp1, $3  }
0x2e: {  	_ =	sdelay $0x1  }
0x2f: {  	[sflag:s15] =	ssyncset.done $0x0  }
0x30: {  	[sflag:s15] =	ssyncadd.s32 $0xFFFFE000  }
.LBB2_1:
0x31: {  	[dreg:$0x5] =	wrdreg s17  }
0x32: {  	s6 =	rddreg [dreg:$0x3];
	s22 =	simm.s32 $0x11  }
0x33: {  	[tilespmem:s3], [sflag:$0x11] =	stream.linear.gather [hbm4b:s6+s3], $0x6400, $0x38;
	[tilespmem:$0x16400] =	vst v63  }
0x34: {  	_ =	swait.ge [sflag:s22], $0x6400  }
0x35: {  	[sflag:s22] =	ssyncset.done $0x0  }
0x36: {  	s25 =	simm.s32 $0x6400;
	[sflag:s22] =	ssyncadd.s32 $0xFFFF9C00  }
0x37: {  	[tilespmem:s25], [sflag:$0x1] =	stream.indirect.gather [hbm4b:s4+s16], $0x40, s3, s16, $0xb8;
	[tilespmem:$0x16400] =	vst v63  }
0x38: {  	s15 =	simm.s32 $0x8400  }
0x39: {  	[tilespmem:s15], [sflag:$0x2] =	stream.indirect.gather [hbm4b:s4+s16], $0x40, s16, s16, $0xb8;
	[tilespmem:$0x16400] =	vst v63  }
0x3a: {  	s17 =	simm.s32 $0x100;
	s15 =	simm.s32 $0xA400  }
0x3b: {  	[tilespmem:s15], [sflag:$0x3] =	stream.indirect.gather [hbm4b:s4+s16], $0x40, s17, s16, $0xb8;
	[tilespmem:$0x16400] =	vst v63  }
0x3c: {  	s18 =	simm.s32 $0x180;
	s20 =	simm.s32 $0xC400  }
0x3d: {  	[tilespmem:s20], [sflag:$0x4] =	stream.indirect.gather [hbm4b:s4+s16], $0x40, s18, s16, $0xb8;
	[tilespmem:$0x16400] =	vst v63  }
0x3e: {  	s22 =	simm.s32 $0x200  }
0x3f: {  	[tilespmem:s24], [sflag:$0x5] =	stream.indirect.gather [hbm4b:s4+s16], $0x40, s22, s16, $0xb8;
	[tilespmem:$0x16400] =	vst v63  }
0x40: {  	s25 =	simm.s32 $0x280;
	s6 =	rddreg [dreg:$0x1];
	s15 =	simm.s32 $0x0  }
0x41: {  	[tilespmem:s26], [sflag:$0x6] =	stream.indirect.gather [hbm4b:s4+s16], $0x40, s25, s16, $0xb8;
	[tilespmem:$0x16400] =	vst v63  }
.LBB2_2:
0x42: {  	_ =	swait.ge [sflag:s28], $0x2000  }
0x43: {  	s25 =	sadd.s32 s6, s7;
	[sflag:s28] =	ssyncset.done $0x0  }
0x44: {  	s17 =	simm.s32 $0x6400;
	p0 =	seq.s32 s15, $0x0;
	[sflag:s28] =	ssyncadd.s32 $0xFFFFE000  }
0x45: {  	[hbm4b:s25+s3] =	stream.linear.scatter [tilespmem:s17], [sflag:$0x9], $0x2000, $0x38;
	[tilespmem:$0x16400] =	vst v63  }
0x46: {  	s17 =	simm.s32 @!p0 $0xF  }
0x47: {  	_ =	swait.ge @!p0 [sflag:s17], $0x2000  }
0x48: {  	s25 =	sshra.s32 s15, $0x2;
	[sflag:s17] =	ssyncset.done @!p0 $0x0  }
0x49: {  	s18 =	sadd.s32 $0x300, s25;
	[sflag:s17] =	ssyncadd.s32 @!p0 $0xFFFFE000  }
0x4a: {  	[tilespmem:s29], [sflag:$0x7] =	stream.indirect.gather [hbm4b:s4+s16], $0x40, s18, s16, $0xb8;
	[tilespmem:$0x16400] =	vst v63  }
0x4b: {  	_ =	swait.ge [sflag:s30], $0x2000  }
0x4c: {  	s20 =	sadd.s32 s6, s12;
	[sflag:s30] =	ssyncset.done $0x0  }
0x4d: {  	s17 =	simm.s32 @!p0 $0x10;
	s18 =	simm.s32 $0x8400;
	[sflag:s30] =	ssyncadd.s32 $0xFFFFE000  }
0x4e: {  	[hbm4b:s20+s3] =	stream.linear.scatter [tilespmem:s18], [sflag:$0xA], $0x2000, $0x38;
	[tilespmem:$0x16400] =	vst v63  }
0x4f: {  	_ =	swait.ge @!p0 [sflag:s17], $0x2000  }
0x50: {  	[sflag:s17] =	ssyncset.done @!p0 $0x0  }
0x51: {  	s22 =	sadd.s32 $0x380, s25;
	[sflag:s17] =	ssyncadd.s32 @!p0 $0xFFFFE000  }
0x52: {  	[tilespmem:s31], [sflag:$0x8] =	stream.indirect.gather [hbm4b:s4+s16], $0x40, s22, s16, $0xb8;
	[tilespmem:$0x16400] =	vst v63  }
0x53: {  	_ =	swait.ge [sflag:s1], $0x2000  }
0x54: {  	s18 =	sadd.s32 s6, s11;
	p0 =	seq.s32 s15, $0x18000;
	[sflag:s1] =	ssyncset.done $0x0  }
0x55: {  	s20 =	simm.s32 $0xA400;
	s17 =	simm.s32 @!p0 $0x9;
	[sflag:s1] =	ssyncadd.s32 $0xFFFFE000  }
0x56: {  	[hbm4b:s18+s3] =	stream.linear.scatter [tilespmem:s20], [sflag:$0xB], $0x2000, $0x38;
	[tilespmem:$0x16400] =	vst v63  }
0x57: {  	_ =	swait.ge @!p0 [sflag:s17], $0x2000  }
0x58: {  	[sflag:s17] =	ssyncset.done @!p0 $0x0  }
0x59: {  	[sflag:s17] =	ssyncadd.s32 @!p0 $0xFFFFE000;
	s17 =	sshra.s32 @!p0 s15, $0x2  }
0x5a: {  	s22 =	simm.s32 @!p0 $0x6400;
	s20 =	simm.s32 @!p0 $0x80;
	s18 =	sadd.s32 @!p0 $0x400, s17  }
0x5b: {  	[tilespmem:s22], [sflag:$0x1] =	stream.indirect.gather @!p0 [hbm4b:s4+s20], $0x40, s18, s20, $0xb8;
	[tilespmem:$0x16400] =	vst v63  }
0x5c: {  	_ =	swait.ge [sflag:s0], $0x2000  }
0x5d: {  	[sflag:s0] =	ssyncset.done $0x0  }
0x5e: {  	s18 =	sadd.s32 s6, s10;
	s22 =	simm.s32 $0xC400;
	[sflag:s0] =	ssyncadd.s32 $0xFFFFE000  }
0x5f: {  	[hbm4b:s18+s3] =	stream.linear.scatter [tilespmem:s22], [sflag:$0xC], $0x2000, $0x38;
	[tilespmem:$0x16400] =	vst v63  }
0x60: {  	s18 =	simm.s32 @!p0 $0xA  }
0x61: {  	_ =	swait.ge @!p0 [sflag:s18], $0x2000  }
0x62: {  	[sflag:s18] =	ssyncset.done @!p0 $0x0  }
0x63: {  	s22 =	simm.s32 @!p0 $0x8400;
	[sflag:s18] =	ssyncadd.s32 @!p0 $0xFFFFE000;
	s18 =	sadd.s32 @!p0 $0x480, s17  }
0x64: {  	[tilespmem:s22], [sflag:$0x2] =	stream.indirect.gather @!p0 [hbm4b:s4+s20], $0x40, s18, s20, $0xb8;
	[tilespmem:$0x16400] =	vst v63  }
0x65: {  	_ =	swait.ge [sflag:s2], $0x2000  }
0x66: {  	[sflag:s2] =	ssyncset.done $0x0  }
0x67: {  	s22 =	sadd.s32 s6, s9;
	s18 =	simm.s32 @!p0 $0xB;
	[sflag:s2] =	ssyncadd.s32 $0xFFFFE000  }
0x68: {  	[hbm4b:s22+s3] =	stream.linear.scatter [tilespmem:s24], [sflag:$0xD], $0x2000, $0x38;
	[tilespmem:$0x16400] =	vst v63  }
0x69: {  	_ =	swait.ge @!p0 [sflag:s18], $0x2000  }
0x6a: {  	[sflag:s18] =	ssyncset.done @!p0 $0x0  }
0x6b: {  	s22 =	simm.s32 @!p0 $0xA400;
	[sflag:s18] =	ssyncadd.s32 @!p0 $0xFFFFE000;
	s18 =	sadd.s32 @!p0 $0x500, s17  }
0x6c: {  	[tilespmem:s22], [sflag:$0x3] =	stream.indirect.gather @!p0 [hbm4b:s4+s20], $0x40, s18, s20, $0xb8;
	[tilespmem:$0x16400] =	vst v63  }
0x6d: {  	_ =	swait.ge [sflag:s19], $0x2000  }
0x6e: {  	[sflag:s19] =	ssyncset.done $0x0  }
0x6f: {  	s22 =	sadd.s32 s6, s8;
	s18 =	simm.s32 @!p0 $0xC;
	[sflag:s19] =	ssyncadd.s32 $0xFFFFE000  }
0x70: {  	[hbm4b:s22+s3] =	stream.linear.scatter [tilespmem:s26], [sflag:$0xE], $0x2000, $0x38;
	[tilespmem:$0x16400] =	vst v63  }
0x71: {  	_ =	swait.ge @!p0 [sflag:s18], $0x2000  }
0x72: {  	[sflag:s18] =	ssyncset.done @!p0 $0x0  }
0x73: {  	s22 =	simm.s32 @!p0 $0xC400;
	[sflag:s18] =	ssyncadd.s32 @!p0 $0xFFFFE000;
	s18 =	sadd.s32 @!p0 $0x580, s17  }
0x74: {  	[tilespmem:s22], [sflag:$0x4] =	stream.indirect.gather @!p0 [hbm4b:s4+s20], $0x40, s18, s20, $0xb8;
	[tilespmem:$0x16400] =	vst v63  }
0x75: {  	_ =	swait.ge [sflag:s21], $0x2000  }
0x76: {  	[sflag:s21] =	ssyncset.done $0x0  }
0x77: {  	s22 =	sadd.s32 s6, s14;
	s18 =	simm.s32 @!p0 $0xD;
	[sflag:s21] =	ssyncadd.s32 $0xFFFFE000  }
0x78: {  	[hbm4b:s22+s3] =	stream.linear.scatter [tilespmem:s29], [sflag:$0xF], $0x2000, $0x38;
	[tilespmem:$0x16400] =	vst v63  }
0x79: {  	_ =	swait.ge @!p0 [sflag:s18], $0x2000  }
0x7a: {  	[sflag:s18] =	ssyncset.done @!p0 $0x0  }
0x7b: {  	s17 =	sadd.s32 @!p0 $0x600, s17;
	[sflag:s18] =	ssyncadd.s32 @!p0 $0xFFFFE000;
	s18 =	simm.s32 @!p0 $0xE400  }
0x7c: {  	[tilespmem:s18], [sflag:$0x5] =	stream.indirect.gather @!p0 [hbm4b:s4+s20], $0x40, s17, s20, $0xb8;
	[tilespmem:$0x16400] =	vst v63  }
.Ltmp2:
0x7d: {  	_ = 	snop;
	(pc) =	sbr.rel @p0 .LBB2_4-.Ltmp2, $4  }
0x7e: {  	_ =	swait.ge [sflag:s23], $0x2000  }
0x7f: {  	[sflag:s23] =	ssyncset.done $0x0  }
0x80: {  	s22 =	sadd.s32 s6, s13;
	[sflag:s23] =	ssyncadd.s32 $0xFFFFE000  }
0x81: {  	[hbm4b:s22+s3] =	stream.linear.scatter [tilespmem:s31], [sflag:$0x10], $0x2000, $0x38;
	[tilespmem:$0x16400] =	vst v63  }
.Ltmp3:
0x82: {  	(pc) =	sbr.rel .LBB2_2-.Ltmp3, $4  }
0x83: {  	_ =	swait.ge [sflag:s5], $0x2000  }
0x84: {  	s17 =	sadd.s32 $0x680, s25;
	[sflag:s5] =	ssyncset.done $0x0  }
0x85: {  	s15 =	sadd.s32 $0x1000, s15;
	s6 =	sadd.s32 $0x2000, s6;
	[sflag:s5] =	ssyncadd.s32 $0xFFFFE000  }
0x86: {  	[tilespmem:s26], [sflag:$0x6] =	stream.indirect.gather [hbm4b:s4+s16], $0x40, s17, s16, $0xb8;
	[tilespmem:$0x16400] =	vst v63  }
.LBB2_5:
0x87: {  	_ =	sfence.sel $0x180000  }
0x88: {  	[bflag:$0x0] =	sbarrier.arrive $0xFFFF  }
0x89: {  	_ =	strace $0x90000047  }
0x8a: {  	s0 =	stileid.u32;
	[bflag:$0x2] =	sbarrier.arrive $0xFFFF  }
0x8b: {  	p0 =	sne.s32 s0, $0x0;
	s0 =	rddreg [dreg:$0x2]  }
0x8c: {  	s0 =	sadd.s32 @!p0 $0x100000, s0  }
0x8d: {  	[sflag:s0] =	ssyncadd.tile.s32 @!p0 $0x1;
	_ =	shalt  }
.Lfunc_end2:
_tile_overlayer_lowered:
.L_overlay_start_2:
0x8e: {  	(tag) =	ssettag $0x2  }
0x8f: {  	s0 =	rddreg [dreg:$0x0];
	s2 =	stileid.u32  }
0x90: {  	s1 =	rddreg [dreg:$0x1];
	p0 =	sne.s32 s2, $0x0  }
0x91: {  	s3 =	rddreg [dreg:$0x2];
	[bflag:$0x3] =	sbarrier.arrive $0xFFFF;
	s2 =	simm.s32 @!p0 $0x1C11  }
0x92: {  	[timem:s3], [sflag:s2] =	dma.local @!p0 [hbm:s0], s1  }
0x93: {  	s0 =	simm.s32 @!p0 $0x11  }
0x94: {  	_ =	swait.ge @!p0 [sflag:s0], s1  }
0x95: {  	s1 =	ssub.s32 @!p0 $0x0, s1;
	[sflag:s0] =	ssyncset.done @!p0 $0x0  }
0x96: {  	[sflag:s0] =	ssyncadd.s32 @!p0 s1  }
0x97: {  	[bflag:$0x3] =	sbarrier.arrive $0xFFFF  }
0x98: {  	_ =	shalt  }

// kernel: sparse-core-data-format-call.cloned.1.call-start
scs
called_computation_lowered:
.L_overlay_start_0:
0x0: {  	s2 =	sld [smem:$0x3FD9]  }
0x1: {  	s3 =	sld [smem:$0x3FFE];
	_ =	sdelay $0x1  }
0x2: {  	s1 =	srdreg.scid  }
0x3: {  	s0 =	sand.u32 $0x1, s1  }
0x4: {  	s18 =	sshll.u32 s0, $0xA;
	s2 =	sadd.s32 s3, s2  }
0x5: {  	s2 =	sadd.s32 s2, s18  }
0x6: {  	[smem:$0x3FC6] =	sst s2  }
0x7: {  	_ = 	snop  }
0x8: {  	s2 =	sld [smem:$0x3FD0];
	(tm) =	ssettm $0x1  }
0x9: {  	s19 =	sld [smem:$0x3FFB];
	_ =	sdelay $0x3  }
0xa: {  	_ =	strace s19  }
0xb: {  	s3 =	sld [smem:$0x3FFC];
	_ =	sdelay $0x3  }
0xc: {  	_ =	strace s3  }
0xd: {  	s3 =	sld [smem:$0x3FFD];
	_ =	sdelay $0x3  }
0xe: {  	_ =	strace s3  }
0xf: {  	_ =	strace $0x8FFFFFFF  }
0x10: {  	s20 =	sld [smem:$0x3FDB];
	_ =	sdelay $0x1  }
0x11: {  	s4 =	simm.s32 $_scs_section_size  }
0x12: {  	s5 =	simm.s32 $_size__tile_overlayer_lowered;
	s6 =	simm.s32 $_tile_overlayer_lowered  }
0x13: {  	s23 =	simm.s32 $0x1BFF;
	s22 =	sshll.u32 s6, $0x1;
	s3 =	sadd.s32 s4, s20  }
0x14: {  	s7 =	simm.s32 $0x0;
	s21 =	sshll.u32 s5, $0x1;
	s5 =	sadd.s32 s22, s3  }
0x15: {  	[timem:s7], [sflag:s23] =	dma.local [hbm:s5], s21  }
0x16: {  	_ =	swait.ge [sflag:s23], s21  }
0x17: {  	s4 =	ssub.s32 $0x0, s21;
	[sflag:s23] =	ssyncset.done $0x0  }
0x18: {  	[sflag:s23] =	ssyncadd.s32 s4;
	_ =	sdelay $0x1  }
0x19: {  	s24 =	simm.s32 $0x1B8B  }
0x1a: {  	_ =	swait.ge [sflag:s24], $0x1  }
0x1b: {  	[sflag:s24] =	ssyncset.done $0x0  }
0x1c: {  	s26 =	simm.s32 $0x1B8E;
	s25 =	sld [smem:$0x3FFE];
	[sflag:s24] =	ssyncadd.s32 $0xFFFFFFFF  }
0x1d: {  	s27 =	simm.s32 $execute0_lowered;
	[smem:$0x3FD2] =	sst s26  }
0x1e: {  	s5 =	sshll.u32 s27, $0x1;
	_ =	strace $0x80000049;
	[dreg:$0x1] =	wrdreg $0xFFFFFFFF  }
0x1f: {  	s28 =	simm.s32 $_size_execute0_lowered;
	s3 =	sadd.s32 s3, s5;
	[dreg:$0x0] =	wrdreg $0x0  }
0x20: {  	s5 =	sshll.u32 s28, $0x1;
	[dreg:$0x2] =	wrdreg s3  }
0x21: {  	[dreg:$0x3] =	wrdreg s5  }
0x22: {  	[dreg:$0x4] =	wrdreg $0xC0  }
0x23: {  	_ =	task [dreg:s7], $0x5FFFF  }
0x24: {  	[dreg:$0x1] =	wrdreg $0xFFFFFFFF  }
0x25: {  	[dreg:$0x0] =	wrdreg $0x60  }
0x26: {  	[dreg:$0x2] =	wrdreg s25  }
0x27: {  	[dreg:$0x3] =	wrdreg s2  }
0x28: {  	[dreg:$0x4] =	wrdreg $0x9  }
0x29: {  	_ =	task.clear_ibuf [dreg:s7], $0x5FFFF;
	_ =	strace $0x90000049  }
0x2a: {  	s29 =	simm.s32 $0x9;
	_ =	strace $0x8000004B  }
0x2b: {  	_ =	swait.ge [sflag:s29], $0x1  }
0x2c: {  	[sflag:s29] =	ssyncadd.s32 $0xFFFFFFFF  }
0x2d: {  	_ =	strace $0x9000004B  }
0x2e: {  	_ =	sfence  }
0x2f: {  	s30 =	sld [smem:$0x0];
	_ =	sdelay $0x2  }
0x30: {  	s31 =	sshll.u32 s1, $0xD;
	s1 =	sshrl.u32 s1, $0x2  }
0x31: {  	s3 =	sand.u32 $0x4000, s31;
	s1 =	sadd.s32 s1, s30  }
0x32: {  	s0 =	sor.u32 s3, s0;
	s1 =	sshll.u32 s1, $0x11  }
0x33: {  	s0 =	sor.u32 s1, s0  }
0x34: {  	s0 =	sadd.s32 $0x8F2B, s0  }
0x35: {  	[sflag:s0] =	ssyncadd.remote.s32 $0x1  }
0x36: {  	_ =	sfence.sel $0xFFFF  }
0x37: {  	[dreg:$0x0] =	wrdreg $0xFFFFFFFF;
	(pc) =	sbr.abs _section_cstart, $3  }
0x38: {  	[dreg:$0x1] =	wrdreg $0xFFFFFFFF  }
0x39: {  	_ =	task.clear_ibuf [dreg:s7], $0x2FFFF;
	_ =	strace $0x9FFFFFFF  }
0x3a: {  	(tm) =	ssettm $0x7FFFFFFF  }
0x3b: {  	_ =	shalt  }
tec
execute0_lowered:
.L_overlay_start_1:
0x0: {  	(tag) =	ssettag $0x1  }
0x1: {  	s0 =	srdreg.scid  }
0x2: {  	s1 =	sshll.u32 s0, $0x4  }
0x3: {  	s0 =	stileid.u32;
	s1 =	sand.u32 $0x10, s1  }
0x4: {  	s1 =	sor.u32 s0, s1  }
0x5: {  	s6 =	rddreg [dreg:$0x0];
	s4 =	simm.s32 $0x1;
	s2 =	sshll.u32 s1, $0x7  }
0x6: {  	s7 =	simm.s32 $0x2;
	s12 =	simm.s32 $0x0;
	s1 =	ssub.s32 $0x4000, s2  }
0x7: {  	s8 =	simm.s32 $0x20000;
	s13 =	simm.s32 $0x0;
	s3 =	sand.u32 $0xF80, s1  }
0x8: {  	s9 =	simm.s32 $0x0;
	s5 =	sshrl.u32 s1, $0xC;
	p0 =	sne.s32 s3, $0x0  }
.Ltmp0:
0x9: {  	s1 =	rddreg [dreg:$0x2];
	s4 =	simm.s32 @!p0 $0x0;
	(pc) =	sbr.rel .LBB1_1-.Ltmp0, $4  }
0xa: {  	s11 =	simm.s32 $0x0;
	s3 =	rddreg [dreg:$0x1];
	s5 =	sadd.s32 s4, s5  }
0xb: {  	_ =	strace $0x8000004A;
	s4 =	simm.s32 $0x1;
	s5 =	smul.u32 $0x32, s5  }
0xc: {  	s6 =	sadd.s32 $0xA00, s6;
	s10 =	smov.u32 s2;
	[sflag:s4] =	ssyncpa.u1 $0x0  }
0xd: {  	p0 =	por $0x0, $0x0;
	[sflag:s7] =	ssyncpa.u1 $0x0;
	s7 =	sor.u32 $0x1, s5  }
.LBB1_4:
0xe: {  	s16 =	sshll.u32 s13, $0x3;
	s17 =	sand.u32 $0x78, s13  }
0xf: {  	s30 =	sand.u32 $0x1F800, s13;
	s12 =	sshll.u32 s12, $0x11;
	s16 =	sand.u32 $0x3C00, s16  }
0x10: {  	[tilespmem:s15+$0x810 ss:$0x81] =	vst.msk $0xffff, v2;
	s31 =	sand.u32 $0x7, s13;
	s16 =	sor.u32 s17, s16;
	s17 =	sadd.s32 s3, s30  }
0x11: {  	[tilespmem:s15+$0x1020 ss:$0x81] =	vst.msk $0xffff, v0;
	s13 =	sshll.u32 s31, $0x12;
	s12 =	sadd.s32 s12, s17;
	s16 =	sshrl.u32 s16, $0x3  }
0x12: {  	[tilespmem:s15+$0x0 ss:$0x81] =	vst.msk $0xffff, v1;
	s13 =	sor.u32 $0x400, s13;
	s12 =	sadd.s32 s16, s12  }
0x13: {  	[hbm4b:s12+s13] =	stream.strided.scatter [tilespmem:s14], [sflag:$0x2], $0x2000, s8, s13, $0x20;
	[tilespmem:$0x8080] =	vst v63  }
.LBB1_5:
0x14: {  	s14 =	sadd.s32 $0x1, s9  }
0x15: {  	s12 =	sadd.s32 $0x1000, s10;
	s16 =	smov.u32 s10;
	p2 =	sgt.s32 s14, $0x31  }
0x16: {  	s16 =	smov.u32 @p2 s12  }
0x17: {  	s14 =	simm.s32 @p2 $0x0;
	p2 =	sgt.s32 s16, $0x3FFF  }
0x18: {  	s16 =	smov.u32 @p2 s2;
	p2 =	sne.s32 s11, s7  }
.Ltmp1:
0x19: {  	p1 =	slt.u32 s11, $0x2;
	(pc) =	sbr.rel @!p2 .LBB1_6-.Ltmp1, $4  }
0x1a: {  	s15 =	simm.s32 @!p1 $0x2  }
0x1b: {  	s13 =	smov.u32 s10;
	p0 =	por !p0, !p0;
	_ =	swait.ge @!p1 [sflag:s15], $0x2000  }
0x1c: {  	s12 =	smov.u32 s9;
	[sflag:s15] =	ssyncset.done @!p1 $0x0;
	s9 =	smov.u32 s14  }
0x1d: {  	s11 =	sadd.s32 $0x1, s11;
	[sflag:s15] =	ssyncadd.s32 @!p1 $0xFFFFE000;
	s10 =	smov.u32 s16  }
.LBB1_1:
0x1e: {  	p1 =	sge.u32 s11, s5  }
0x1f: {  	s14 =	sand.u32 @!p1 $0x1FFFFFF, s9  }
0x20: {  	s15 =	smulhi.u32 @!p1 $0x4924925, s14;
	_ =	sdelay $0x1  }
0x21: {  	s15 =	smul.u32 @!p1 $0x38, s15  }
0x22: {  	s16 =	sxor.u32 @!p1 $0xFFFFFFFF, s11;
	s17 =	smul.u32 @!p1 $0x380, s10  }
0x23: {  	s31 =	sadd.s32 $0xFFFFFFFF, s11;
	s16 =	sshll.u32 @!p1 s16, $0xD;
	s14 =	ssub.s32 @!p1 s14, s15  }
0x24: {  	s15 =	sand.u32 @!p1 $0x2000, s16;
	s16 =	sadd.s32 @!p1 s6, s17;
	s14 =	sshll.u32 @!p1 s14, $0x4  }
0x25: {  	s17 =	simm.s32 @!p1 $0x1C00;
	s14 =	sadd.s32 @!p1 s14, s16;
	s16 =	simm.s32 @!p1 $0x40  }
0x26: {  	[tilespmem:s15], [sflag:$0x1] =	stream.strided.gather @!p1 [hbm4b:s14+s16], $0x2000, s17, s16, $0x38;
	[tilespmem:$0x8080] =	vst v63  }
0x27: {  	p1 =	sge.u32 s31, s5  }
.Ltmp2:
0x28: {  	_ = 	snop;
	(pc) =	sbr.rel @p1 .LBB1_5-.Ltmp2, $1  }
0x29: {  	_ =	sdelay $0x3  }
0x2a: {  	s14 =	simm.s32 $0x1  }
0x2b: {  	_ =	swait.ge [sflag:s4], $0x2000;
	s14 =	simm.s32 @!p0 $0x0  }
0x2c: {  	[sflag:s4] =	ssyncset.done $0x0;
	s15 =	sshll.u32 s14, $0xD  }
0x2d: {  	[sflag:s4] =	ssyncadd.s32 $0xFFFFE000;
	s18 =	sor.u32 $0x20, s15  }
0x2e: {  	s14 =	smul.u32 $0x8100, s14;
	v3 =	vld [tilespmem:s18+$0x10]  }
0x2f: {  	s30 =	sand.u32 $0x1, s11;
	v2 =	vld [tilespmem:s18+$0xFFFFFFF0]  }
0x30: {  	s15 =	smul.u32 $0x8100, s30;
	s14 =	sshrl.u32 s14, $0x2;
	v0 =	vld [tilespmem:s18+$0x0]  }
0x31: {  	v1 =	vld [tilespmem:s18+$0xFFFFFFE0];
	s16 =	sor.u32 $0x4000, s14  }
0x32: {  	s31 =	sshrl.u32 s15, $0x2;
	s15 =	sadd.s32 $0x0, s16  }
0x33: {  	s17 =	simm.s32 $0x4;
	s18 =	sadd.s32 $0x40, s18;
	s14 =	sor.u32 $0x4000, s31;
	[tilespmem:s15+$0x1830 ss:$0x81] =	vst.msk $0xffff, v3  }
.LBB1_3:
0x34: {  	v3 =	vld [tilespmem:s18+$0x10];
	p1 =	sne.s32 s17, $0x1FC;
	[tilespmem:s15+$0x810 ss:$0x81] =	vst.msk $0xffff, v2;
	s19 =	smov.u32 s17;
	s17 =	sadd.s32 $0x4, s17  }
.Ltmp3:
0x35: {  	v2 =	vld [tilespmem:s18+$0xFFFFFFF0];
	[tilespmem:s15+$0x1020 ss:$0x81] =	vst.msk $0xffff, v0;
	(pc) =	sbr.rel @p1 .LBB1_3-.Ltmp3, $4  }
0x36: {  	v0 =	vld [tilespmem:s18+$0x0];
	[tilespmem:s15+$0x0 ss:$0x81] =	vst.msk $0xffff, v1  }
0x37: {  	s15 =	sshra.s32 s19, $0x2;
	v1 =	vld [tilespmem:s18+$0xFFFFFFE0]  }
0x38: {  	s15 =	sadd.s32 s15, s16  }
0x39: {  	s18 =	sadd.s32 $0x40, s18;
	[tilespmem:s15+$0x1830 ss:$0x81] =	vst.msk $0xffff, v3  }
.Ltmp4:
0x3a: {  	_ = 	snop;
	(pc) =	sbr.rel .LBB1_4-.Ltmp4, $1  }
0x3b: {  	_ =	sdelay $0x3  }
.LBB1_6:
0x3c: {  	_ =	sfence.sel $0x180000  }
0x3d: {  	s2 =	simm.s32 $0x1;
	[bflag:$0x0] =	sbarrier.arrive $0xFFFF  }
0x3e: {  	s31 =	simm.s32 $0x2;
	[sflag:s2] =	ssyncpa.u1 $0x1  }
0x3f: {  	[sflag:s31] =	ssyncpa.u1 $0x1  }
0x40: {  	p0 =	sne.s32 s0, $0x0;
	_ =	strace $0x9000004A  }
0x41: {  	s0 =	sadd.s32 @!p0 $0x100000, s1;
	[bflag:$0x2] =	sbarrier.arrive $0xFFFF  }
0x42: {  	[sflag:s0] =	ssyncadd.tile.s32 @!p0 $0x1;
	_ =	shalt  }
.Lfunc_end1:
_tile_overlayer_lowered:
.L_overlay_start_2:
0x43: {  	(tag) =	ssettag $0x2  }
0x44: {  	s0 =	rddreg [dreg:$0x0];
	s2 =	stileid.u32  }
0x45: {  	s1 =	rddreg [dreg:$0x1];
	p0 =	sne.s32 s2, $0x0  }
0x46: {  	s3 =	rddreg [dreg:$0x2];
	[bflag:$0x3] =	sbarrier.arrive $0xFFFF;
	s2 =	simm.s32 @!p0 $0x1C01  }
0x47: {  	[timem:s3], [sflag:s2] =	dma.local @!p0 [hbm:s0], s1  }
0x48: {  	s0 =	simm.s32 @!p0 $0x1  }
0x49: {  	_ =	swait.ge @!p0 [sflag:s0], s1  }
0x4a: {  	s1 =	ssub.s32 @!p0 $0x0, s1;
	[sflag:s0] =	ssyncset.done @!p0 $0x0  }
0x4b: {  	[sflag:s0] =	ssyncadd.s32 @!p0 s1  }
0x4c: {  	[bflag:$0x3] =	sbarrier.arrive $0xFFFF  }
0x4d: {  	_ =	shalt  }

</sc_bundles>
